<compile_context>
chip_gen: v7x
topology: tpu7x:2x2x1
jax: 0.10.2.dev20260603
libtpu: 0.0.44.dev20260713+nightly
codegen_flags: <defaults>
</compile_context>

<pallas_src>
import functools

import jax
import jax.numpy as jnp
from jax import lax
from jax.experimental import pallas as pl
from jax.experimental.pallas import tpu as pltpu
from jax.experimental.pallas import tpu_sc as plsc

_B = 8
_SEQ = 512
_TOT = 2048
_D = 128
_CLS = 101
_SEP = 102
_PAD = 0

_NC = 2
_NS = 16
_NW = _NC * _NS
_CHUNK = _B * _SEQ // _NW
_CPB = _SEQ // _CHUNK
_TWIN = 160
_ZBASE = 2 * _TOT

_BUDGET = _SEQ - 3
_HALF = _BUDGET // 2


def _sc_body(tok1_hbm, tok2_hbm, ctab_hbm, cu1_hbm, cu2_hbm,
             ids_hbm, mask_hbm, types_hbm, packed_hbm,
             cu1_v, cu2_v, tokw1, tokw2, cidx_a, cidx_b,
             buf_a, buf_b, ids_v, mask_v, types_v,
             sem, sem_a, sem_b, wsem):
    wid = lax.axis_index("s") * _NC + lax.axis_index("c")
    b = wid // _CPB
    base = (wid % _CPB) * _CHUNK

    k1 = pltpu.async_copy(cu1_hbm, cu1_v, sem_a)
    k2 = pltpu.async_copy(cu2_hbm, cu2_v, sem_b)
    k1.wait()
    k2.wait()

    iota = lax.iota(jnp.int32, 16)
    lo = jnp.minimum(iota, _B)
    hi = jnp.minimum(iota + 1, _B)
    s1v = plsc.load_gather(cu1_v, [lo])
    s2v = plsc.load_gather(cu2_v, [lo])
    l1v = plsc.load_gather(cu1_v, [hi]) - s1v
    l2v = plsc.load_gather(cu2_v, [hi]) - s2v

    over = (l1v + l2v) > _BUDGET
    t1 = jnp.where(l2v <= _HALF, _BUDGET - l2v,
                   jnp.where(l1v <= _HALF, l1v, _HALF))
    t2 = jnp.where(l2v <= _HALF, l2v,
                   jnp.where(l1v <= _HALF, _BUDGET - l1v, _BUDGET - _HALF))
    l1v = jnp.where(over, t1, l1v)
    l2v = jnp.where(over, t2, l2v)

    sel = iota == b
    l1 = jnp.sum(jnp.where(sel, l1v, 0))
    l2 = jnp.sum(jnp.where(sel, l2v, 0))
    s1 = jnp.sum(jnp.where(sel, s1v, 0))
    s2 = jnp.sum(jnp.where(sel, s2v, 0))

    w1 = pl.multiple_of(jnp.clip((s1 + base - 1) & -16, 0, _TOT - _TWIN), 16)
    w2 = pl.multiple_of(
        jnp.clip((s2 + base - l1 - 2) & -16, 0, _TOT - _TWIN), 16)
    c1 = pltpu.async_copy(tok1_hbm.at[pl.ds(w1, _TWIN)], tokw1, sem)
    c2 = pltpu.async_copy(tok2_hbm.at[pl.ds(w2, _TWIN)], tokw2, sem)

    half = _CHUNK // 2
    for j in range(_CHUNK // 16):
        p = base + j * 16 + iota
        in1 = (p >= 1) & (p <= l1)
        in2 = (p >= l1 + 2) & (p <= l1 + 1 + l2)
        idx = jnp.where(
            in1, s1 + p - 1,
            jnp.where(in2, _TOT + s2 + p - l1 - 2,
                      _ZBASE + j * 16 + iota))
        if j < half // 16:
            cidx_a[pl.ds(j * 16, 16)] = idx
        else:
            cidx_b[pl.ds(j * 16 - half, 16)] = idx
        if j == half // 16 - 1:
            ga = pltpu.async_copy(ctab_hbm.at[cidx_a], buf_a, sem_a)

    gb = pltpu.async_copy(ctab_hbm.at[cidx_b], buf_b, sem_b)

    ga.wait()
    wa = pltpu.async_copy(buf_a, packed_hbm.at[b, pl.ds(base, half)], wsem)

    c1.wait()
    c2.wait()

    for j in range(_CHUNK // 16):
        p = base + j * 16 + iota
        in1 = (p >= 1) & (p <= l1)
        in2 = (p >= l1 + 2) & (p <= l1 + 1 + l2)
        sep = (p == l1 + 1) | (p == l1 + l2 + 2)
        lt1 = jnp.clip(s1 + p - 1 - w1, 0, _TWIN - 1)
        lt2 = jnp.clip(s2 + p - l1 - 2 - w2, 0, _TWIN - 1)
        t1g = plsc.load_gather(tokw1, [lt1])
        t2g = plsc.load_gather(tokw2, [lt2])
        ids = jnp.where(p == 0, _CLS,
                        jnp.where(sep, _SEP,
                                  jnp.where(in1, t1g,
                                            jnp.where(in2, t2g, _PAD))))
        ids_v[pl.ds(j * 16, 16)] = ids
        mask_v[pl.ds(j * 16, 16)] = (p < l1 + l2 + 3).astype(jnp.int32)
        types_v[pl.ds(j * 16, 16)] = (
            (p >= l1 + 2) & (p <= l1 + l2 + 2)).astype(jnp.int32)

    gb.wait()
    wb = pltpu.async_copy(
        buf_b, packed_hbm.at[b, pl.ds(base + half, half)], wsem)

    ci = pltpu.async_copy(ids_v, ids_hbm.at[b, pl.ds(base, _CHUNK)], sem)
    cm = pltpu.async_copy(mask_v, mask_hbm.at[b, pl.ds(base, _CHUNK)], sem)
    ct = pltpu.async_copy(types_v, types_hbm.at[b, pl.ds(base, _CHUNK)], sem)

    wa.wait()
    wb.wait()
    ci.wait()
    cm.wait()
    ct.wait()


_sc_call = functools.partial(
    pl.kernel,
    out_type=(
        jax.ShapeDtypeStruct((_B, _SEQ), jnp.int32),
        jax.ShapeDtypeStruct((_B, _SEQ), jnp.int32),
        jax.ShapeDtypeStruct((_B, _SEQ), jnp.int32),
        jax.ShapeDtypeStruct((_B, _SEQ, _D), jnp.float32),
    ),
    mesh=plsc.VectorSubcoreMesh(
        core_axis_name="c", subcore_axis_name="s",
        num_cores=_NC, num_subcores=_NS),
    compiler_params=pltpu.CompilerParams(
        needs_layout_passes=False, use_tc_tiling_on_sc=False),
    scratch_types=[
        pltpu.VMEM((_B + 1,), jnp.int32),
        pltpu.VMEM((_B + 1,), jnp.int32),
        pltpu.VMEM((_TWIN,), jnp.int32),
        pltpu.VMEM((_TWIN,), jnp.int32),
        pltpu.VMEM((_CHUNK // 2,), jnp.int32),
        pltpu.VMEM((_CHUNK // 2,), jnp.int32),
        pltpu.VMEM((_CHUNK // 2, _D), jnp.float32),
        pltpu.VMEM((_CHUNK // 2, _D), jnp.float32),
        pltpu.VMEM((_CHUNK,), jnp.int32),
        pltpu.VMEM((_CHUNK,), jnp.int32),
        pltpu.VMEM((_CHUNK,), jnp.int32),
        pltpu.SemaphoreType.DMA,
        pltpu.SemaphoreType.DMA,
        pltpu.SemaphoreType.DMA,
        pltpu.SemaphoreType.DMA,
    ],
)(_sc_body)


def kernel(tokens1, tokens2, feats1, feats2, cu_seqlens1, cu_seqlens2):
    ctab = jnp.concatenate(
        [feats1, feats2, jnp.zeros((_CHUNK, _D), jnp.float32)], axis=0)
    return _sc_call(tokens1.astype(jnp.int32), tokens2.astype(jnp.int32),
                    ctab,
                    cu_seqlens1.astype(jnp.int32),
                    cu_seqlens2.astype(jnp.int32))

# --- scband reference (transcript-rebuilt; emitter-appended) ---
"""Pipeline reference for scband-bert-input-processor-19361712571432 (READ-ONLY COPY).

The authoritative reference and input builder live on the scoring server;
editing this copy changes nothing except your own understanding.
"""

import jax, jax.numpy as jnp
import numpy as np

B = 8
SEQ_LEN = 512
TOT = 2048
D = 128
VOCAB = 30522
CLS_ID = 101
SEP_ID = 102
PAD_ID = 0


def setup_inputs(seed: int = 0) -> dict:
    key = jax.random.key(seed)
    k1, k2, k3, k4, k5, k6 = jax.random.split(key, 6)
    tokens1 = jax.random.randint(k1, (TOT,), 0, VOCAB)
    tokens2 = jax.random.randint(k2, (TOT,), 0, VOCAB)
    feats1 = jax.random.normal(k3, (TOT, D), dtype=jnp.float32)
    feats2 = jax.random.normal(k4, (TOT, D), dtype=jnp.float32)
    cu1 = jnp.sort(jax.random.randint(k5, (B + 1,), 0, TOT))
    cu1 = cu1.at[0].set(0).at[-1].set(TOT)
    cu2 = jnp.sort(jax.random.randint(k6, (B + 1,), 0, TOT))
    cu2 = cu2.at[0].set(0).at[-1].set(TOT)
    return {"tokens1": tokens1, "tokens2": tokens2, "feats1": feats1, "feats2": feats2,
            "cu_seqlens1": cu1.astype(jnp.int32), "cu_seqlens2": cu2.astype(jnp.int32)}


def _plan(cu1, cu2):
    # Traced packing plan (mirrors BertPackInputs: round-robin truncation,
    # [CLS] seg1 [SEP] seg2 [SEP] layout, pad to seq_length).
    budget = SEQ_LEN - 3
    half = budget // 2
    l1 = (cu1[1:] - cu1[:-1]).astype(jnp.int32)
    l2 = (cu2[1:] - cu2[:-1]).astype(jnp.int32)
    over = (l1 + l2) > budget
    # Closed form of the round-robin truncation loop:
    # - if l2 <= budget//2, only l1 is trimmed (down to budget - l2)
    # - if l1 <= budget//2, only l2 is trimmed (down to budget - l1)
    # - otherwise both converge: l1 -> budget//2, l2 -> budget - budget//2
    t1 = jnp.where(l2 <= half, budget - l2, jnp.where(l1 <= half, l1, half))
    t2 = jnp.where(l2 <= half, l2, jnp.where(l1 <= half, budget - l1, budget - half))
    l1 = jnp.where(over, t1, l1)
    l2 = jnp.where(over, t2, l2)
    start1 = cu1[:-1].astype(jnp.int32)
    start2 = cu2[:-1].astype(jnp.int32)
    return l1, l2, start1, start2


def reference(tokens1, tokens2, feats1, feats2, cu_seqlens1, cu_seqlens2):
    l1, l2, start1, start2 = _plan(cu_seqlens1, cu_seqlens2)
    pos = jnp.arange(SEQ_LEN, dtype=jnp.int32)[None, :]
    L1 = l1[:, None]
    L2 = l2[:, None]
    in1 = (pos >= 1) & (pos <= L1)
    in2 = (pos >= L1 + 2) & (pos <= L1 + 1 + L2)
    sep = (pos == L1 + 1) | (pos == L1 + L2 + 2)
    idx1 = jnp.clip(start1[:, None] + pos - 1, 0, TOT - 1)
    idx2 = jnp.clip(start2[:, None] + pos - L1 - 2, 0, TOT - 1)
    tok1 = jnp.take(tokens1, idx1).astype(jnp.int32)
    tok2 = jnp.take(tokens2, idx2).astype(jnp.int32)
    ids = jnp.full((B, SEQ_LEN), PAD_ID, dtype=jnp.int32)
    ids = jnp.where(pos == 0, jnp.int32(CLS_ID), ids)
    ids = jnp.where(sep, jnp.int32(SEP_ID), ids)
    ids = jnp.where(in1, tok1, ids)
    ids = jnp.where(in2, tok2, ids)
    mask = (pos < L1 + L2 + 3).astype(jnp.int32)
    types = ((pos >= L1 + 2) & (pos <= L1 + L2 + 2)).astype(jnp.int32)
    packed = jnp.zeros((B, SEQ_LEN, D), jnp.float32)
    packed = jnp.where(in1[..., None], jnp.take(feats1, idx1, axis=0), packed)
    packed = jnp.where(in2[..., None], jnp.take(feats2, idx2, axis=0), packed)
    return ids, mask, types, packed

if __name__ == "__main__":
    import jax
    _d = setup_inputs()
    print(jax.jit(kernel)(*tuple(_d.values())))

</pallas_src>

<mosaic_0001>
#map = affine_map<(d0, d1) -> (0)>
#map1 = affine_map<(d0, d1) -> (0, 0)>
#map2 = affine_map<(d0, d1) -> (0, 0, 0)>
module attributes {stable_mosaic.version = 14 : i64} {
  func.func @_sc_body(%arg0: i32, %arg1: i32, %arg2: memref<2048xi32, #tpu.memory_space<hbm>>, %arg3: memref<2048xi32, #tpu.memory_space<hbm>>, %arg4: memref<4224x128xf32, #tpu.memory_space<hbm>>, %arg5: memref<9xi32, #tpu.memory_space<hbm>>, %arg6: memref<9xi32, #tpu.memory_space<hbm>>, %arg7: memref<8x512xi32, #tpu.memory_space<hbm>>, %arg8: memref<8x512xi32, #tpu.memory_space<hbm>>, %arg9: memref<8x512xi32, #tpu.memory_space<hbm>>, %arg10: memref<8x512x128xf32, #tpu.memory_space<hbm>>, %arg11: memref<9xi32, #tpu.memory_space<vmem>>, %arg12: memref<9xi32, #tpu.memory_space<vmem>>, %arg13: memref<160xi32, #tpu.memory_space<vmem>>, %arg14: memref<160xi32, #tpu.memory_space<vmem>>, %arg15: memref<64xi32, #tpu.memory_space<vmem>>, %arg16: memref<64xi32, #tpu.memory_space<vmem>>, %arg17: memref<64x128xf32, #tpu.memory_space<vmem>>, %arg18: memref<64x128xf32, #tpu.memory_space<vmem>>, %arg19: memref<128xi32, #tpu.memory_space<vmem>>, %arg20: memref<128xi32, #tpu.memory_space<vmem>>, %arg21: memref<128xi32, #tpu.memory_space<vmem>>, %arg22: memref<!tpu.dma_semaphore, #tpu.memory_space<semaphore_mem>>, %arg23: memref<!tpu.dma_semaphore, #tpu.memory_space<semaphore_mem>>, %arg24: memref<!tpu.dma_semaphore, #tpu.memory_space<semaphore_mem>>, %arg25: memref<!tpu.dma_semaphore, #tpu.memory_space<semaphore_mem>>) attributes {dimension_semantics = [#tpu.dimension_semantics<core_parallel>, #tpu.dimension_semantics<subcore_parallel>], iteration_bounds = array<i64: 2, 16>, scalar_prefetch = 0 : i64, scratch_operands = 15 : i64, tpu.core_type = #tpu.core_type<sc_vector_subcore>, window_params = [{transform_indices = #map}, {transform_indices = #map}, {transform_indices = #map1}, {transform_indices = #map}, {transform_indices = #map}, {transform_indices = #map1}, {transform_indices = #map1}, {transform_indices = #map1}, {transform_indices = #map2}]} {
    %mul3A = arith.constant 2 : i32
    %mul3A_0 = arith.muli %arg1, %mul3A : i32
    %add3A = arith.addi %mul3A_0, %arg0 : i32
    %jit3A = arith.constant 4 : i32
    %div3A = arith.divsi %add3A, %jit3A : i32
    %sign3A = arith.constant 0 : i32
    %sign3A_1 = arith.cmpi sgt, %add3A, %sign3A : i32
    %sign3A_2 = arith.extui %sign3A_1 : i1 to i32
    %sign3A_3 = arith.constant 0 : i32
    %sign3A_4 = arith.cmpi slt, %add3A, %sign3A_3 : i32
    %sign3A_5 = arith.extui %sign3A_4 : i1 to i32
    %sign3A_6 = arith.subi %sign3A_2, %sign3A_5 : i32
    %sign3A_7 = arith.constant 0 : i32
    %sign3A_8 = arith.cmpi sgt, %jit3A, %sign3A_7 : i32
    %sign3A_9 = arith.extui %sign3A_8 : i1 to i32
    %sign3A_10 = arith.constant 0 : i32
    %sign3A_11 = arith.cmpi slt, %jit3A, %sign3A_10 : i32
    %sign3A_12 = arith.extui %sign3A_11 : i1 to i32
    %sign3A_13 = arith.subi %sign3A_9, %sign3A_12 : i32
    %ne3A = arith.cmpi ne, %sign3A_6, %sign3A_13 : i32
    %rem3A = arith.remsi %add3A, %jit3A : i32
    %ne3A_14 = arith.constant 0 : i32
    %ne3A_15 = arith.cmpi ne, %rem3A, %ne3A_14 : i32
    %and3A = arith.andi %ne3A, %ne3A_15 : i1
    %sub3A = arith.constant 1 : i32
    %sub3A_16 = arith.subi %div3A, %sub3A : i32
    %select_n3A = arith.select %and3A, %sub3A_16, %div3A : i32
    %jit3A_17 = arith.constant 4 : i32
    %eq3A = arith.constant 0 : i32
    %eq3A_18 = arith.cmpi eq, %jit3A_17, %eq3A : i32
    %jit3A_19 = arith.constant 1 : i32
    %select_n3A_20 = arith.select %eq3A_18, %jit3A_19, %jit3A_17 : i32
    %rem3A_21 = arith.remsi %add3A, %select_n3A_20 : i32
    %ne3A_22 = arith.constant 0 : i32
    %ne3A_23 = arith.cmpi ne, %rem3A_21, %ne3A_22 : i32
    %lt3A = arith.constant 0 : i32
    %lt3A_24 = arith.cmpi slt, %rem3A_21, %lt3A : i32
    %lt3A_25 = arith.constant 0 : i32
    %lt3A_26 = arith.cmpi slt, %select_n3A_20, %lt3A_25 : i32
    %ne3A_27 = arith.xori %lt3A_24, %lt3A_26 : i1
    %and3A_28 = arith.andi %ne3A_27, %ne3A_23 : i1
    %add3A_29 = arith.addi %rem3A_21, %select_n3A_20 : i32
    %select_n3A_30 = arith.select %and3A_28, %add3A_29, %rem3A_21 : i32
    %mul3A_31 = arith.constant 128 : i32
    %mul3A_32 = arith.muli %select_n3A_30, %mul3A_31 : i32
    tpu.enqueue_dma source(%arg5 : memref<9xi32, #tpu.memory_space<hbm>>) target(%arg11 : memref<9xi32, #tpu.memory_space<vmem>>) target_semaphore(%arg23 : memref<!tpu.dma_semaphore, #tpu.memory_space<semaphore_mem>>)
    tpu.enqueue_dma source(%arg6 : memref<9xi32, #tpu.memory_space<hbm>>) target(%arg12 : memref<9xi32, #tpu.memory_space<vmem>>) target_semaphore(%arg24 : memref<!tpu.dma_semaphore, #tpu.memory_space<semaphore_mem>>)
    tpu.wait_dma2 semaphore(%arg23 : memref<!tpu.dma_semaphore, #tpu.memory_space<semaphore_mem>>) src(%arg5 : memref<9xi32, #tpu.memory_space<hbm>>) dst(%arg11 : memref<9xi32, #tpu.memory_space<vmem>>)
    tpu.wait_dma2 semaphore(%arg24 : memref<!tpu.dma_semaphore, #tpu.memory_space<semaphore_mem>>) src(%arg6 : memref<9xi32, #tpu.memory_space<hbm>>) dst(%arg12 : memref<9xi32, #tpu.memory_space<vmem>>)
    %iota3A = tpu.iota {dimensions = array<i32: 0>} : vector<16xi32>
    %min3A = arith.constant 8 : i32
    %min3A_33 = vector.broadcast %min3A : i32 to vector<16xi32>
    %min3A_34 = arith.minsi %iota3A, %min3A_33 : vector<16xi32>
    %add3A_35 = arith.constant 1 : i32
    %add3A_36 = vector.broadcast %add3A_35 : i32 to vector<16xi32>
    %add3A_37 = arith.addi %iota3A, %add3A_36 : vector<16xi32>
    %min3A_38 = arith.constant 8 : i32
    %min3A_39 = vector.broadcast %min3A_38 : i32 to vector<16xi32>
    %min3A_40 = arith.minsi %add3A_37, %min3A_39 : vector<16xi32>
    %gather3A = tpu.vector_load_idx %arg11[%min3A_34] : memref<9xi32, #tpu.memory_space<vmem>>[vector<16xi32>], vector<16xi32>,
    %gather3A_41 = tpu.vector_load_idx %arg12[%min3A_34] : memref<9xi32, #tpu.memory_space<vmem>>[vector<16xi32>], vector<16xi32>,
    %gather3A_42 = tpu.vector_load_idx %arg11[%min3A_40] : memref<9xi32, #tpu.memory_space<vmem>>[vector<16xi32>], vector<16xi32>,
    %sub3A_43 = arith.subi %gather3A_42, %gather3A : vector<16xi32>
    %gather3A_44 = tpu.vector_load_idx %arg12[%min3A_40] : memref<9xi32, #tpu.memory_space<vmem>>[vector<16xi32>], vector<16xi32>,
    %sub3A_45 = arith.subi %gather3A_44, %gather3A_41 : vector<16xi32>
    %add3A_46 = arith.addi %sub3A_43, %sub3A_45 : vector<16xi32>
    %gt3A = arith.constant 509 : i32
    %gt3A_47 = vector.broadcast %gt3A : i32 to vector<16xi32>
    %gt3A_48 = arith.cmpi sgt, %add3A_46, %gt3A_47 : vector<16xi32>
    %le3A = arith.constant 254 : i32
    %le3A_49 = vector.broadcast %le3A : i32 to vector<16xi32>
    %le3A_50 = arith.cmpi sle, %sub3A_45, %le3A_49 : vector<16xi32>
    %sub3A_51 = arith.constant 509 : i32
    %sub3A_52 = vector.broadcast %sub3A_51 : i32 to vector<16xi32>
    %sub3A_53 = arith.subi %sub3A_52, %sub3A_45 : vector<16xi32>
    %le3A_54 = arith.constant 254 : i32
    %le3A_55 = vector.broadcast %le3A_54 : i32 to vector<16xi32>
    %le3A_56 = arith.cmpi sle, %sub3A_43, %le3A_55 : vector<16xi32>
    %jit3A_57 = arith.constant 254 : i32
    %broadcast_in_dim3A = vector.broadcast %jit3A_57 : i32 to vector<16xi32>
    %select_n3A_58 = arith.select %le3A_56, %sub3A_43, %broadcast_in_dim3A : vector<16xi1>, vector<16xi32>
    %select_n3A_59 = arith.select %le3A_50, %sub3A_53, %select_n3A_58 : vector<16xi1>, vector<16xi32>
    %le3A_60 = arith.constant 254 : i32
    %le3A_61 = vector.broadcast %le3A_60 : i32 to vector<16xi32>
    %le3A_62 = arith.cmpi sle, %sub3A_45, %le3A_61 : vector<16xi32>
    %le3A_63 = arith.constant 254 : i32
    %le3A_64 = vector.broadcast %le3A_63 : i32 to vector<16xi32>
    %le3A_65 = arith.cmpi sle, %sub3A_43, %le3A_64 : vector<16xi32>
    %sub3A_66 = arith.constant 509 : i32
    %sub3A_67 = vector.broadcast %sub3A_66 : i32 to vector<16xi32>
    %sub3A_68 = arith.subi %sub3A_67, %sub3A_43 : vector<16xi32>
    %jit3A_69 = arith.constant 255 : i32
    %broadcast_in_dim3A_70 = vector.broadcast %jit3A_69 : i32 to vector<16xi32>
    %select_n3A_71 = arith.select %le3A_65, %sub3A_68, %broadcast_in_dim3A_70 : vector<16xi1>, vector<16xi32>
    %select_n3A_72 = arith.select %le3A_62, %sub3A_45, %select_n3A_71 : vector<16xi1>, vector<16xi32>
    %select_n3A_73 = arith.select %gt3A_48, %select_n3A_59, %sub3A_43 : vector<16xi1>, vector<16xi32>
    %select_n3A_74 = arith.select %gt3A_48, %select_n3A_72, %sub3A_45 : vector<16xi1>, vector<16xi32>
    %eq3A_75 = vector.broadcast %select_n3A : i32 to vector<16xi32>
    %eq3A_76 = arith.cmpi eq, %iota3A, %eq3A_75 : vector<16xi32>
    %jit3A_77 = arith.constant 0 : i32
    %broadcast_in_dim3A_78 = vector.broadcast %jit3A_77 : i32 to vector<16xi32>
    %select_n3A_79 = arith.select %eq3A_76, %select_n3A_73, %broadcast_in_dim3A_78 : vector<16xi1>, vector<16xi32>
    %reduce_sum3A = arith.constant true
    %reduce_sum3A_80 = vector.broadcast %reduce_sum3A : i1 to vector<16xi1>
    %reduce_sum3A_81 = tpu.scan <sum>, %select_n3A_79 masked %reduce_sum3A_80 : vector<16xi32>, vector<16xi1> -> vector<16xi32>
    %reduce_sum3A_82 = vector.extract %reduce_sum3A_81[15] : i32 from vector<16xi32>
    %jit3A_83 = arith.constant 0 : i32
    %broadcast_in_dim3A_84 = vector.broadcast %jit3A_83 : i32 to vector<16xi32>
    %select_n3A_85 = arith.select %eq3A_76, %select_n3A_74, %broadcast_in_dim3A_84 : vector<16xi1>, vector<16xi32>
    %reduce_sum3A_86 = arith.constant true
    %reduce_sum3A_87 = vector.broadcast %reduce_sum3A_86 : i1 to vector<16xi1>
    %reduce_sum3A_88 = tpu.scan <sum>, %select_n3A_85 masked %reduce_sum3A_87 : vector<16xi32>, vector<16xi1> -> vector<16xi32>
    %reduce_sum3A_89 = vector.extract %reduce_sum3A_88[15] : i32 from vector<16xi32>
    %jit3A_90 = arith.constant 0 : i32
    %broadcast_in_dim3A_91 = vector.broadcast %jit3A_90 : i32 to vector<16xi32>
    %select_n3A_92 = arith.select %eq3A_76, %gather3A, %broadcast_in_dim3A_91 : vector<16xi1>, vector<16xi32>
    %reduce_sum3A_93 = arith.constant true
    %reduce_sum3A_94 = vector.broadcast %reduce_sum3A_93 : i1 to vector<16xi1>
    %reduce_sum3A_95 = tpu.scan <sum>, %select_n3A_92 masked %reduce_sum3A_94 : vector<16xi32>, vector<16xi1> -> vector<16xi32>
    %reduce_sum3A_96 = vector.extract %reduce_sum3A_95[15] : i32 from vector<16xi32>
    %jit3A_97 = arith.constant 0 : i32
    %broadcast_in_dim3A_98 = vector.broadcast %jit3A_97 : i32 to vector<16xi32>
    %select_n3A_99 = arith.select %eq3A_76, %gather3A_41, %broadcast_in_dim3A_98 : vector<16xi1>, vector<16xi32>
    %reduce_sum3A_100 = arith.constant true
    %reduce_sum3A_101 = vector.broadcast %reduce_sum3A_100 : i1 to vector<16xi1>
    %reduce_sum3A_102 = tpu.scan <sum>, %select_n3A_99 masked %reduce_sum3A_101 : vector<16xi32>, vector<16xi1> -> vector<16xi32>
    %reduce_sum3A_103 = vector.extract %reduce_sum3A_102[15] : i32 from vector<16xi32>
    %add3A_104 = arith.addi %reduce_sum3A_96, %mul3A_32 : i32
    %sub3A_105 = arith.constant 1 : i32
    %sub3A_106 = arith.subi %add3A_104, %sub3A_105 : i32
    %and3A_107 = arith.constant -16 : i32
    %and3A_108 = arith.andi %sub3A_106, %and3A_107 : i32
    %jit3A_109 = arith.constant 0 : i32
    %jit3A_110 = arith.constant 1888 : i32
    %max3A = arith.maxsi %jit3A_109, %and3A_108 : i32
    %min3A_111 = arith.minsi %jit3A_110, %max3A : i32
    %multiple_of3A = tpu.assume_multiple %min3A_111, 16 : i32
    %add3A_112 = arith.addi %reduce_sum3A_103, %mul3A_32 : i32
    %sub3A_113 = arith.subi %add3A_112, %reduce_sum3A_82 : i32
    %sub3A_114 = arith.constant 2 : i32
    %sub3A_115 = arith.subi %sub3A_113, %sub3A_114 : i32
    %and3A_116 = arith.constant -16 : i32
    %and3A_117 = arith.andi %sub3A_115, %and3A_116 : i32
    %jit3A_118 = arith.constant 0 : i32
    %jit3A_119 = arith.constant 1888 : i32
    %max3A_120 = arith.maxsi %jit3A_118, %and3A_117 : i32
    %min3A_121 = arith.minsi %jit3A_119, %max3A_120 : i32
    %multiple_of3A_122 = tpu.assume_multiple %min3A_121, 16 : i32
    %dma_start3A = tpu.memref_slice %arg2[%multiple_of3A] : memref<2048xi32, #tpu.memory_space<hbm>> -> memref<160xi32, #tpu.memory_space<hbm>>
    %dma_start3A_123 = tpu.memref_slice %arg2[%multiple_of3A] : memref<2048xi32, #tpu.memory_space<hbm>> -> memref<160xi32, #tpu.memory_space<hbm>>
    tpu.enqueue_dma source(%dma_start3A_123 : memref<160xi32, #tpu.memory_space<hbm>>) target(%arg13 : memref<160xi32, #tpu.memory_space<vmem>>) target_semaphore(%arg22 : memref<!tpu.dma_semaphore, #tpu.memory_space<semaphore_mem>>)
    %dma_start3A_124 = tpu.memref_slice %arg3[%multiple_of3A_122] : memref<2048xi32, #tpu.memory_space<hbm>> -> memref<160xi32, #tpu.memory_space<hbm>>
    %dma_start3A_125 = tpu.memref_slice %arg3[%multiple_of3A_122] : memref<2048xi32, #tpu.memory_space<hbm>> -> memref<160xi32, #tpu.memory_space<hbm>>
    tpu.enqueue_dma source(%dma_start3A_125 : memref<160xi32, #tpu.memory_space<hbm>>) target(%arg14 : memref<160xi32, #tpu.memory_space<vmem>>) target_semaphore(%arg22 : memref<!tpu.dma_semaphore, #tpu.memory_space<semaphore_mem>>)
    %add3A_126 = arith.constant 0 : i32
    %add3A_127 = arith.addi %mul3A_32, %add3A_126 : i32
    %add3A_128 = vector.broadcast %add3A_127 : i32 to vector<16xi32>
    %add3A_129 = arith.addi %add3A_128, %iota3A : vector<16xi32>
    %ge3A = arith.constant 1 : i32
    %ge3A_130 = vector.broadcast %ge3A : i32 to vector<16xi32>
    %ge3A_131 = arith.cmpi sge, %add3A_129, %ge3A_130 : vector<16xi32>
    %le3A_132 = vector.broadcast %reduce_sum3A_82 : i32 to vector<16xi32>
    %le3A_133 = arith.cmpi sle, %add3A_129, %le3A_132 : vector<16xi32>
    %and3A_134 = arith.andi %ge3A_131, %le3A_133 : vector<16xi1>
    %add3A_135 = arith.constant 2 : i32
    %add3A_136 = arith.addi %reduce_sum3A_82, %add3A_135 : i32
    %ge3A_137 = vector.broadcast %add3A_136 : i32 to vector<16xi32>
    %ge3A_138 = arith.cmpi sge, %add3A_129, %ge3A_137 : vector<16xi32>
    %add3A_139 = arith.constant 1 : i32
    %add3A_140 = arith.addi %reduce_sum3A_82, %add3A_139 : i32
    %add3A_141 = arith.addi %add3A_140, %reduce_sum3A_89 : i32
    %le3A_142 = vector.broadcast %add3A_141 : i32 to vector<16xi32>
    %le3A_143 = arith.cmpi sle, %add3A_129, %le3A_142 : vector<16xi32>
    %and3A_144 = arith.andi %ge3A_138, %le3A_143 : vector<16xi1>
    %add3A_145 = vector.broadcast %reduce_sum3A_96 : i32 to vector<16xi32>
    %add3A_146 = arith.addi %add3A_145, %add3A_129 : vector<16xi32>
    %sub3A_147 = arith.constant 1 : i32
    %sub3A_148 = vector.broadcast %sub3A_147 : i32 to vector<16xi32>
    %sub3A_149 = arith.subi %add3A_146, %sub3A_148 : vector<16xi32>
    %add3A_150 = arith.constant 2048 : i32
    %add3A_151 = arith.addi %add3A_150, %reduce_sum3A_103 : i32
    %add3A_152 = vector.broadcast %add3A_151 : i32 to vector<16xi32>
    %add3A_153 = arith.addi %add3A_152, %add3A_129 : vector<16xi32>
    %sub3A_154 = vector.broadcast %reduce_sum3A_82 : i32 to vector<16xi32>
    %sub3A_155 = arith.subi %add3A_153, %sub3A_154 : vector<16xi32>
    %sub3A_156 = arith.constant 2 : i32
    %sub3A_157 = vector.broadcast %sub3A_156 : i32 to vector<16xi32>
    %sub3A_158 = arith.subi %sub3A_155, %sub3A_157 : vector<16xi32>
    %add3A_159 = arith.constant 4096 : i32
    %add3A_160 = vector.broadcast %add3A_159 : i32 to vector<16xi32>
    %add3A_161 = arith.addi %add3A_160, %iota3A : vector<16xi32>
    %select_n3A_162 = arith.select %and3A_144, %sub3A_158, %add3A_161 : vector<16xi1>, vector<16xi32>
    %select_n3A_163 = arith.select %and3A_134, %sub3A_149, %select_n3A_162 : vector<16xi1>, vector<16xi32>
    %swap3A = arith.constant 0 : index
    %swap3A_164 = tpu.vector_load %arg15[%swap3A] {strides = array<i32>} : memref<64xi32, #tpu.memory_space<vmem>>, vector<16xi32>,
    tpu.vector_store %arg15[%swap3A], %select_n3A_163 {strides = array<i32>} : memref<64xi32, #tpu.memory_space<vmem>>, vector<16xi32>,
    %add3A_165 = arith.constant 16 : i32
    %add3A_166 = arith.addi %mul3A_32, %add3A_165 : i32
    %add3A_167 = vector.broadcast %add3A_166 : i32 to vector<16xi32>
    %add3A_168 = arith.addi %add3A_167, %iota3A : vector<16xi32>
    %ge3A_169 = arith.constant 1 : i32
    %ge3A_170 = vector.broadcast %ge3A_169 : i32 to vector<16xi32>
    %ge3A_171 = arith.cmpi sge, %add3A_168, %ge3A_170 : vector<16xi32>
    %le3A_172 = vector.broadcast %reduce_sum3A_82 : i32 to vector<16xi32>
    %le3A_173 = arith.cmpi sle, %add3A_168, %le3A_172 : vector<16xi32>
    %and3A_174 = arith.andi %ge3A_171, %le3A_173 : vector<16xi1>
    %add3A_175 = arith.constant 2 : i32
    %add3A_176 = arith.addi %reduce_sum3A_82, %add3A_175 : i32
    %ge3A_177 = vector.broadcast %add3A_176 : i32 to vector<16xi32>
    %ge3A_178 = arith.cmpi sge, %add3A_168, %ge3A_177 : vector<16xi32>
    %add3A_179 = arith.constant 1 : i32
    %add3A_180 = arith.addi %reduce_sum3A_82, %add3A_179 : i32
    %add3A_181 = arith.addi %add3A_180, %reduce_sum3A_89 : i32
    %le3A_182 = vector.broadcast %add3A_181 : i32 to vector<16xi32>
    %le3A_183 = arith.cmpi sle, %add3A_168, %le3A_182 : vector<16xi32>
    %and3A_184 = arith.andi %ge3A_178, %le3A_183 : vector<16xi1>
    %add3A_185 = vector.broadcast %reduce_sum3A_96 : i32 to vector<16xi32>
    %add3A_186 = arith.addi %add3A_185, %add3A_168 : vector<16xi32>
    %sub3A_187 = arith.constant 1 : i32
    %sub3A_188 = vector.broadcast %sub3A_187 : i32 to vector<16xi32>
    %sub3A_189 = arith.subi %add3A_186, %sub3A_188 : vector<16xi32>
    %add3A_190 = arith.constant 2048 : i32
    %add3A_191 = arith.addi %add3A_190, %reduce_sum3A_103 : i32
    %add3A_192 = vector.broadcast %add3A_191 : i32 to vector<16xi32>
    %add3A_193 = arith.addi %add3A_192, %add3A_168 : vector<16xi32>
    %sub3A_194 = vector.broadcast %reduce_sum3A_82 : i32 to vector<16xi32>
    %sub3A_195 = arith.subi %add3A_193, %sub3A_194 : vector<16xi32>
    %sub3A_196 = arith.constant 2 : i32
    %sub3A_197 = vector.broadcast %sub3A_196 : i32 to vector<16xi32>
    %sub3A_198 = arith.subi %sub3A_195, %sub3A_197 : vector<16xi32>
    %add3A_199 = arith.constant 4112 : i32
    %add3A_200 = vector.broadcast %add3A_199 : i32 to vector<16xi32>
    %add3A_201 = arith.addi %add3A_200, %iota3A : vector<16xi32>
    %select_n3A_202 = arith.select %and3A_184, %sub3A_198, %add3A_201 : vector<16xi1>, vector<16xi32>
    %select_n3A_203 = arith.select %and3A_174, %sub3A_189, %select_n3A_202 : vector<16xi1>, vector<16xi32>
    %swap3A_204 = arith.constant 16 : index
    %swap3A_205 = tpu.vector_load %arg15[%swap3A_204] {strides = array<i32>} : memref<64xi32, #tpu.memory_space<vmem>>, vector<16xi32>,
    tpu.vector_store %arg15[%swap3A_204], %select_n3A_203 {strides = array<i32>} : memref<64xi32, #tpu.memory_space<vmem>>, vector<16xi32>,
    %add3A_206 = arith.constant 32 : i32
    %add3A_207 = arith.addi %mul3A_32, %add3A_206 : i32
    %add3A_208 = vector.broadcast %add3A_207 : i32 to vector<16xi32>
    %add3A_209 = arith.addi %add3A_208, %iota3A : vector<16xi32>
    %ge3A_210 = arith.constant 1 : i32
    %ge3A_211 = vector.broadcast %ge3A_210 : i32 to vector<16xi32>
    %ge3A_212 = arith.cmpi sge, %add3A_209, %ge3A_211 : vector<16xi32>
    %le3A_213 = vector.broadcast %reduce_sum3A_82 : i32 to vector<16xi32>
    %le3A_214 = arith.cmpi sle, %add3A_209, %le3A_213 : vector<16xi32>
    %and3A_215 = arith.andi %ge3A_212, %le3A_214 : vector<16xi1>
    %add3A_216 = arith.constant 2 : i32
    %add3A_217 = arith.addi %reduce_sum3A_82, %add3A_216 : i32
    %ge3A_218 = vector.broadcast %add3A_217 : i32 to vector<16xi32>
    %ge3A_219 = arith.cmpi sge, %add3A_209, %ge3A_218 : vector<16xi32>
    %add3A_220 = arith.constant 1 : i32
    %add3A_221 = arith.addi %reduce_sum3A_82, %add3A_220 : i32
    %add3A_222 = arith.addi %add3A_221, %reduce_sum3A_89 : i32
    %le3A_223 = vector.broadcast %add3A_222 : i32 to vector<16xi32>
    %le3A_224 = arith.cmpi sle, %add3A_209, %le3A_223 : vector<16xi32>
    %and3A_225 = arith.andi %ge3A_219, %le3A_224 : vector<16xi1>
    %add3A_226 = vector.broadcast %reduce_sum3A_96 : i32 to vector<16xi32>
    %add3A_227 = arith.addi %add3A_226, %add3A_209 : vector<16xi32>
    %sub3A_228 = arith.constant 1 : i32
    %sub3A_229 = vector.broadcast %sub3A_228 : i32 to vector<16xi32>
    %sub3A_230 = arith.subi %add3A_227, %sub3A_229 : vector<16xi32>
    %add3A_231 = arith.constant 2048 : i32
    %add3A_232 = arith.addi %add3A_231, %reduce_sum3A_103 : i32
    %add3A_233 = vector.broadcast %add3A_232 : i32 to vector<16xi32>
    %add3A_234 = arith.addi %add3A_233, %add3A_209 : vector<16xi32>
    %sub3A_235 = vector.broadcast %reduce_sum3A_82 : i32 to vector<16xi32>
    %sub3A_236 = arith.subi %add3A_234, %sub3A_235 : vector<16xi32>
    %sub3A_237 = arith.constant 2 : i32
    %sub3A_238 = vector.broadcast %sub3A_237 : i32 to vector<16xi32>
    %sub3A_239 = arith.subi %sub3A_236, %sub3A_238 : vector<16xi32>
    %add3A_240 = arith.constant 4128 : i32
    %add3A_241 = vector.broadcast %add3A_240 : i32 to vector<16xi32>
    %add3A_242 = arith.addi %add3A_241, %iota3A : vector<16xi32>
    %select_n3A_243 = arith.select %and3A_225, %sub3A_239, %add3A_242 : vector<16xi1>, vector<16xi32>
    %select_n3A_244 = arith.select %and3A_215, %sub3A_230, %select_n3A_243 : vector<16xi1>, vector<16xi32>
    %swap3A_245 = arith.constant 32 : index
    %swap3A_246 = tpu.vector_load %arg15[%swap3A_245] {strides = array<i32>} : memref<64xi32, #tpu.memory_space<vmem>>, vector<16xi32>,
    tpu.vector_store %arg15[%swap3A_245], %select_n3A_244 {strides = array<i32>} : memref<64xi32, #tpu.memory_space<vmem>>, vector<16xi32>,
    %add3A_247 = arith.constant 48 : i32
    %add3A_248 = arith.addi %mul3A_32, %add3A_247 : i32
    %add3A_249 = vector.broadcast %add3A_248 : i32 to vector<16xi32>
    %add3A_250 = arith.addi %add3A_249, %iota3A : vector<16xi32>
    %ge3A_251 = arith.constant 1 : i32
    %ge3A_252 = vector.broadcast %ge3A_251 : i32 to vector<16xi32>
    %ge3A_253 = arith.cmpi sge, %add3A_250, %ge3A_252 : vector<16xi32>
    %le3A_254 = vector.broadcast %reduce_sum3A_82 : i32 to vector<16xi32>
    %le3A_255 = arith.cmpi sle, %add3A_250, %le3A_254 : vector<16xi32>
    %and3A_256 = arith.andi %ge3A_253, %le3A_255 : vector<16xi1>
    %add3A_257 = arith.constant 2 : i32
    %add3A_258 = arith.addi %reduce_sum3A_82, %add3A_257 : i32
    %ge3A_259 = vector.broadcast %add3A_258 : i32 to vector<16xi32>
    %ge3A_260 = arith.cmpi sge, %add3A_250, %ge3A_259 : vector<16xi32>
    %add3A_261 = arith.constant 1 : i32
    %add3A_262 = arith.addi %reduce_sum3A_82, %add3A_261 : i32
    %add3A_263 = arith.addi %add3A_262, %reduce_sum3A_89 : i32
    %le3A_264 = vector.broadcast %add3A_263 : i32 to vector<16xi32>
    %le3A_265 = arith.cmpi sle, %add3A_250, %le3A_264 : vector<16xi32>
    %and3A_266 = arith.andi %ge3A_260, %le3A_265 : vector<16xi1>
    %add3A_267 = vector.broadcast %reduce_sum3A_96 : i32 to vector<16xi32>
    %add3A_268 = arith.addi %add3A_267, %add3A_250 : vector<16xi32>
    %sub3A_269 = arith.constant 1 : i32
    %sub3A_270 = vector.broadcast %sub3A_269 : i32 to vector<16xi32>
    %sub3A_271 = arith.subi %add3A_268, %sub3A_270 : vector<16xi32>
    %add3A_272 = arith.constant 2048 : i32
    %add3A_273 = arith.addi %add3A_272, %reduce_sum3A_103 : i32
    %add3A_274 = vector.broadcast %add3A_273 : i32 to vector<16xi32>
    %add3A_275 = arith.addi %add3A_274, %add3A_250 : vector<16xi32>
    %sub3A_276 = vector.broadcast %reduce_sum3A_82 : i32 to vector<16xi32>
    %sub3A_277 = arith.subi %add3A_275, %sub3A_276 : vector<16xi32>
    %sub3A_278 = arith.constant 2 : i32
    %sub3A_279 = vector.broadcast %sub3A_278 : i32 to vector<16xi32>
    %sub3A_280 = arith.subi %sub3A_277, %sub3A_279 : vector<16xi32>
    %add3A_281 = arith.constant 4144 : i32
    %add3A_282 = vector.broadcast %add3A_281 : i32 to vector<16xi32>
    %add3A_283 = arith.addi %add3A_282, %iota3A : vector<16xi32>
    %select_n3A_284 = arith.select %and3A_266, %sub3A_280, %add3A_283 : vector<16xi1>, vector<16xi32>
    %select_n3A_285 = arith.select %and3A_256, %sub3A_271, %select_n3A_284 : vector<16xi1>, vector<16xi32>
    %swap3A_286 = arith.constant 48 : index
    %swap3A_287 = tpu.vector_load %arg15[%swap3A_286] {strides = array<i32>} : memref<64xi32, #tpu.memory_space<vmem>>, vector<16xi32>,
    tpu.vector_store %arg15[%swap3A_286], %select_n3A_285 {strides = array<i32>} : memref<64xi32, #tpu.memory_space<vmem>>, vector<16xi32>,
    %dma_start3A_288 = arith.constant 0 : i32
    %dma_start3A_289 = arith.constant 0 : i32
    %dma_start3A_290 = tpu.memref_slice %arg4[%dma_start3A_288, %dma_start3A_289] : memref<4224x128xf32, #tpu.memory_space<hbm>> -> memref<4224x128xf32, #tpu.memory_space<hbm>>
    tpu.enqueue_indirect_dma source(%dma_start3A_290 : memref<4224x128xf32, #tpu.memory_space<hbm>>) target(%arg17 : memref<64x128xf32, #tpu.memory_space<vmem>>) offsets(%arg15 : memref<64xi32, #tpu.memory_space<vmem>>) semaphore(%arg23 : memref<!tpu.dma_semaphore, #tpu.memory_space<semaphore_mem>>)
    %add3A_291 = arith.constant 64 : i32
    %add3A_292 = arith.addi %mul3A_32, %add3A_291 : i32
    %add3A_293 = vector.broadcast %add3A_292 : i32 to vector<16xi32>
    %add3A_294 = arith.addi %add3A_293, %iota3A : vector<16xi32>
    %ge3A_295 = arith.constant 1 : i32
    %ge3A_296 = vector.broadcast %ge3A_295 : i32 to vector<16xi32>
    %ge3A_297 = arith.cmpi sge, %add3A_294, %ge3A_296 : vector<16xi32>
    %le3A_298 = vector.broadcast %reduce_sum3A_82 : i32 to vector<16xi32>
    %le3A_299 = arith.cmpi sle, %add3A_294, %le3A_298 : vector<16xi32>
    %and3A_300 = arith.andi %ge3A_297, %le3A_299 : vector<16xi1>
    %add3A_301 = arith.constant 2 : i32
    %add3A_302 = arith.addi %reduce_sum3A_82, %add3A_301 : i32
    %ge3A_303 = vector.broadcast %add3A_302 : i32 to vector<16xi32>
    %ge3A_304 = arith.cmpi sge, %add3A_294, %ge3A_303 : vector<16xi32>
    %add3A_305 = arith.constant 1 : i32
    %add3A_306 = arith.addi %reduce_sum3A_82, %add3A_305 : i32
    %add3A_307 = arith.addi %add3A_306, %reduce_sum3A_89 : i32
    %le3A_308 = vector.broadcast %add3A_307 : i32 to vector<16xi32>
    %le3A_309 = arith.cmpi sle, %add3A_294, %le3A_308 : vector<16xi32>
    %and3A_310 = arith.andi %ge3A_304, %le3A_309 : vector<16xi1>
    %add3A_311 = vector.broadcast %reduce_sum3A_96 : i32 to vector<16xi32>
    %add3A_312 = arith.addi %add3A_311, %add3A_294 : vector<16xi32>
    %sub3A_313 = arith.constant 1 : i32
    %sub3A_314 = vector.broadcast %sub3A_313 : i32 to vector<16xi32>
    %sub3A_315 = arith.subi %add3A_312, %sub3A_314 : vector<16xi32>
    %add3A_316 = arith.constant 2048 : i32
    %add3A_317 = arith.addi %add3A_316, %reduce_sum3A_103 : i32
    %add3A_318 = vector.broadcast %add3A_317 : i32 to vector<16xi32>
    %add3A_319 = arith.addi %add3A_318, %add3A_294 : vector<16xi32>
    %sub3A_320 = vector.broadcast %reduce_sum3A_82 : i32 to vector<16xi32>
    %sub3A_321 = arith.subi %add3A_319, %sub3A_320 : vector<16xi32>
    %sub3A_322 = arith.constant 2 : i32
    %sub3A_323 = vector.broadcast %sub3A_322 : i32 to vector<16xi32>
    %sub3A_324 = arith.subi %sub3A_321, %sub3A_323 : vector<16xi32>
    %add3A_325 = arith.constant 4160 : i32
    %add3A_326 = vector.broadcast %add3A_325 : i32 to vector<16xi32>
    %add3A_327 = arith.addi %add3A_326, %iota3A : vector<16xi32>
    %select_n3A_328 = arith.select %and3A_310, %sub3A_324, %add3A_327 : vector<16xi1>, vector<16xi32>
    %select_n3A_329 = arith.select %and3A_300, %sub3A_315, %select_n3A_328 : vector<16xi1>, vector<16xi32>
    %swap3A_330 = arith.constant 0 : index
    %swap3A_331 = tpu.vector_load %arg16[%swap3A_330] {strides = array<i32>} : memref<64xi32, #tpu.memory_space<vmem>>, vector<16xi32>,
    tpu.vector_store %arg16[%swap3A_330], %select_n3A_329 {strides = array<i32>} : memref<64xi32, #tpu.memory_space<vmem>>, vector<16xi32>,
    %add3A_332 = arith.constant 80 : i32
    %add3A_333 = arith.addi %mul3A_32, %add3A_332 : i32
    %add3A_334 = vector.broadcast %add3A_333 : i32 to vector<16xi32>
    %add3A_335 = arith.addi %add3A_334, %iota3A : vector<16xi32>
    %ge3A_336 = arith.constant 1 : i32
    %ge3A_337 = vector.broadcast %ge3A_336 : i32 to vector<16xi32>
    %ge3A_338 = arith.cmpi sge, %add3A_335, %ge3A_337 : vector<16xi32>
    %le3A_339 = vector.broadcast %reduce_sum3A_82 : i32 to vector<16xi32>
    %le3A_340 = arith.cmpi sle, %add3A_335, %le3A_339 : vector<16xi32>
    %and3A_341 = arith.andi %ge3A_338, %le3A_340 : vector<16xi1>
    %add3A_342 = arith.constant 2 : i32
    %add3A_343 = arith.addi %reduce_sum3A_82, %add3A_342 : i32
    %ge3A_344 = vector.broadcast %add3A_343 : i32 to vector<16xi32>
    %ge3A_345 = arith.cmpi sge, %add3A_335, %ge3A_344 : vector<16xi32>
    %add3A_346 = arith.constant 1 : i32
    %add3A_347 = arith.addi %reduce_sum3A_82, %add3A_346 : i32
    %add3A_348 = arith.addi %add3A_347, %reduce_sum3A_89 : i32
    %le3A_349 = vector.broadcast %add3A_348 : i32 to vector<16xi32>
    %le3A_350 = arith.cmpi sle, %add3A_335, %le3A_349 : vector<16xi32>
    %and3A_351 = arith.andi %ge3A_345, %le3A_350 : vector<16xi1>
    %add3A_352 = vector.broadcast %reduce_sum3A_96 : i32 to vector<16xi32>
    %add3A_353 = arith.addi %add3A_352, %add3A_335 : vector<16xi32>
    %sub3A_354 = arith.constant 1 : i32
    %sub3A_355 = vector.broadcast %sub3A_354 : i32 to vector<16xi32>
    %sub3A_356 = arith.subi %add3A_353, %sub3A_355 : vector<16xi32>
    %add3A_357 = arith.constant 2048 : i32
    %add3A_358 = arith.addi %add3A_357, %reduce_sum3A_103 : i32
    %add3A_359 = vector.broadcast %add3A_358 : i32 to vector<16xi32>
    %add3A_360 = arith.addi %add3A_359, %add3A_335 : vector<16xi32>
    %sub3A_361 = vector.broadcast %reduce_sum3A_82 : i32 to vector<16xi32>
    %sub3A_362 = arith.subi %add3A_360, %sub3A_361 : vector<16xi32>
    %sub3A_363 = arith.constant 2 : i32
    %sub3A_364 = vector.broadcast %sub3A_363 : i32 to vector<16xi32>
    %sub3A_365 = arith.subi %sub3A_362, %sub3A_364 : vector<16xi32>
    %add3A_366 = arith.constant 4176 : i32
    %add3A_367 = vector.broadcast %add3A_366 : i32 to vector<16xi32>
    %add3A_368 = arith.addi %add3A_367, %iota3A : vector<16xi32>
    %select_n3A_369 = arith.select %and3A_351, %sub3A_365, %add3A_368 : vector<16xi1>, vector<16xi32>
    %select_n3A_370 = arith.select %and3A_341, %sub3A_356, %select_n3A_369 : vector<16xi1>, vector<16xi32>
    %swap3A_371 = arith.constant 16 : index
    %swap3A_372 = tpu.vector_load %arg16[%swap3A_371] {strides = array<i32>} : memref<64xi32, #tpu.memory_space<vmem>>, vector<16xi32>,
    tpu.vector_store %arg16[%swap3A_371], %select_n3A_370 {strides = array<i32>} : memref<64xi32, #tpu.memory_space<vmem>>, vector<16xi32>,
    %add3A_373 = arith.constant 96 : i32
    %add3A_374 = arith.addi %mul3A_32, %add3A_373 : i32
    %add3A_375 = vector.broadcast %add3A_374 : i32 to vector<16xi32>
    %add3A_376 = arith.addi %add3A_375, %iota3A : vector<16xi32>
    %ge3A_377 = arith.constant 1 : i32
    %ge3A_378 = vector.broadcast %ge3A_377 : i32 to vector<16xi32>
    %ge3A_379 = arith.cmpi sge, %add3A_376, %ge3A_378 : vector<16xi32>
    %le3A_380 = vector.broadcast %reduce_sum3A_82 : i32 to vector<16xi32>
    %le3A_381 = arith.cmpi sle, %add3A_376, %le3A_380 : vector<16xi32>
    %and3A_382 = arith.andi %ge3A_379, %le3A_381 : vector<16xi1>
    %add3A_383 = arith.constant 2 : i32
    %add3A_384 = arith.addi %reduce_sum3A_82, %add3A_383 : i32
    %ge3A_385 = vector.broadcast %add3A_384 : i32 to vector<16xi32>
    %ge3A_386 = arith.cmpi sge, %add3A_376, %ge3A_385 : vector<16xi32>
    %add3A_387 = arith.constant 1 : i32
    %add3A_388 = arith.addi %reduce_sum3A_82, %add3A_387 : i32
    %add3A_389 = arith.addi %add3A_388, %reduce_sum3A_89 : i32
    %le3A_390 = vector.broadcast %add3A_389 : i32 to vector<16xi32>
    %le3A_391 = arith.cmpi sle, %add3A_376, %le3A_390 : vector<16xi32>
    %and3A_392 = arith.andi %ge3A_386, %le3A_391 : vector<16xi1>
    %add3A_393 = vector.broadcast %reduce_sum3A_96 : i32 to vector<16xi32>
    %add3A_394 = arith.addi %add3A_393, %add3A_376 : vector<16xi32>
    %sub3A_395 = arith.constant 1 : i32
    %sub3A_396 = vector.broadcast %sub3A_395 : i32 to vector<16xi32>
    %sub3A_397 = arith.subi %add3A_394, %sub3A_396 : vector<16xi32>
    %add3A_398 = arith.constant 2048 : i32
    %add3A_399 = arith.addi %add3A_398, %reduce_sum3A_103 : i32
    %add3A_400 = vector.broadcast %add3A_399 : i32 to vector<16xi32>
    %add3A_401 = arith.addi %add3A_400, %add3A_376 : vector<16xi32>
    %sub3A_402 = vector.broadcast %reduce_sum3A_82 : i32 to vector<16xi32>
    %sub3A_403 = arith.subi %add3A_401, %sub3A_402 : vector<16xi32>
    %sub3A_404 = arith.constant 2 : i32
    %sub3A_405 = vector.broadcast %sub3A_404 : i32 to vector<16xi32>
    %sub3A_406 = arith.subi %sub3A_403, %sub3A_405 : vector<16xi32>
    %add3A_407 = arith.constant 4192 : i32
    %add3A_408 = vector.broadcast %add3A_407 : i32 to vector<16xi32>
    %add3A_409 = arith.addi %add3A_408, %iota3A : vector<16xi32>
    %select_n3A_410 = arith.select %and3A_392, %sub3A_406, %add3A_409 : vector<16xi1>, vector<16xi32>
    %select_n3A_411 = arith.select %and3A_382, %sub3A_397, %select_n3A_410 : vector<16xi1>, vector<16xi32>
    %swap3A_412 = arith.constant 32 : index
    %swap3A_413 = tpu.vector_load %arg16[%swap3A_412] {strides = array<i32>} : memref<64xi32, #tpu.memory_space<vmem>>, vector<16xi32>,
    tpu.vector_store %arg16[%swap3A_412], %select_n3A_411 {strides = array<i32>} : memref<64xi32, #tpu.memory_space<vmem>>, vector<16xi32>,
    %add3A_414 = arith.constant 112 : i32
    %add3A_415 = arith.addi %mul3A_32, %add3A_414 : i32
    %add3A_416 = vector.broadcast %add3A_415 : i32 to vector<16xi32>
    %add3A_417 = arith.addi %add3A_416, %iota3A : vector<16xi32>
    %ge3A_418 = arith.constant 1 : i32
    %ge3A_419 = vector.broadcast %ge3A_418 : i32 to vector<16xi32>
    %ge3A_420 = arith.cmpi sge, %add3A_417, %ge3A_419 : vector<16xi32>
    %le3A_421 = vector.broadcast %reduce_sum3A_82 : i32 to vector<16xi32>
    %le3A_422 = arith.cmpi sle, %add3A_417, %le3A_421 : vector<16xi32>
    %and3A_423 = arith.andi %ge3A_420, %le3A_422 : vector<16xi1>
    %add3A_424 = arith.constant 2 : i32
    %add3A_425 = arith.addi %reduce_sum3A_82, %add3A_424 : i32
    %ge3A_426 = vector.broadcast %add3A_425 : i32 to vector<16xi32>
    %ge3A_427 = arith.cmpi sge, %add3A_417, %ge3A_426 : vector<16xi32>
    %add3A_428 = arith.constant 1 : i32
    %add3A_429 = arith.addi %reduce_sum3A_82, %add3A_428 : i32
    %add3A_430 = arith.addi %add3A_429, %reduce_sum3A_89 : i32
    %le3A_431 = vector.broadcast %add3A_430 : i32 to vector<16xi32>
    %le3A_432 = arith.cmpi sle, %add3A_417, %le3A_431 : vector<16xi32>
    %and3A_433 = arith.andi %ge3A_427, %le3A_432 : vector<16xi1>
    %add3A_434 = vector.broadcast %reduce_sum3A_96 : i32 to vector<16xi32>
    %add3A_435 = arith.addi %add3A_434, %add3A_417 : vector<16xi32>
    %sub3A_436 = arith.constant 1 : i32
    %sub3A_437 = vector.broadcast %sub3A_436 : i32 to vector<16xi32>
    %sub3A_438 = arith.subi %add3A_435, %sub3A_437 : vector<16xi32>
    %add3A_439 = arith.constant 2048 : i32
    %add3A_440 = arith.addi %add3A_439, %reduce_sum3A_103 : i32
    %add3A_441 = vector.broadcast %add3A_440 : i32 to vector<16xi32>
    %add3A_442 = arith.addi %add3A_441, %add3A_417 : vector<16xi32>
    %sub3A_443 = vector.broadcast %reduce_sum3A_82 : i32 to vector<16xi32>
    %sub3A_444 = arith.subi %add3A_442, %sub3A_443 : vector<16xi32>
    %sub3A_445 = arith.constant 2 : i32
    %sub3A_446 = vector.broadcast %sub3A_445 : i32 to vector<16xi32>
    %sub3A_447 = arith.subi %sub3A_444, %sub3A_446 : vector<16xi32>
    %add3A_448 = arith.constant 4208 : i32
    %add3A_449 = vector.broadcast %add3A_448 : i32 to vector<16xi32>
    %add3A_450 = arith.addi %add3A_449, %iota3A : vector<16xi32>
    %select_n3A_451 = arith.select %and3A_433, %sub3A_447, %add3A_450 : vector<16xi1>, vector<16xi32>
    %select_n3A_452 = arith.select %and3A_423, %sub3A_438, %select_n3A_451 : vector<16xi1>, vector<16xi32>
    %swap3A_453 = arith.constant 48 : index
    %swap3A_454 = tpu.vector_load %arg16[%swap3A_453] {strides = array<i32>} : memref<64xi32, #tpu.memory_space<vmem>>, vector<16xi32>,
    tpu.vector_store %arg16[%swap3A_453], %select_n3A_452 {strides = array<i32>} : memref<64xi32, #tpu.memory_space<vmem>>, vector<16xi32>,
    %dma_start3A_455 = arith.constant 0 : i32
    %dma_start3A_456 = arith.constant 0 : i32
    %dma_start3A_457 = tpu.memref_slice %arg4[%dma_start3A_455, %dma_start3A_456] : memref<4224x128xf32, #tpu.memory_space<hbm>> -> memref<4224x128xf32, #tpu.memory_space<hbm>>
    tpu.enqueue_indirect_dma source(%dma_start3A_457 : memref<4224x128xf32, #tpu.memory_space<hbm>>) target(%arg18 : memref<64x128xf32, #tpu.memory_space<vmem>>) offsets(%arg16 : memref<64xi32, #tpu.memory_space<vmem>>) semaphore(%arg24 : memref<!tpu.dma_semaphore, #tpu.memory_space<semaphore_mem>>)
    %dma_wait3A = arith.constant 0 : i32
    %dma_wait3A_458 = arith.constant 0 : i32
    %dma_wait3A_459 = tpu.memref_slice %arg4[%dma_wait3A, %dma_wait3A_458] : memref<4224x128xf32, #tpu.memory_space<hbm>> -> memref<4224x128xf32, #tpu.memory_space<hbm>>
    tpu.wait_indirect_dma semaphore(%arg23 : memref<!tpu.dma_semaphore, #tpu.memory_space<semaphore_mem>>) src(%dma_wait3A_459 : memref<4224x128xf32, #tpu.memory_space<hbm>>) dst(%arg17 : memref<64x128xf32, #tpu.memory_space<vmem>>)
    %dma_start3A_460 = arith.constant 0 : i32
    %dma_start3A_461 = tpu.memref_slice %arg10[%select_n3A, %mul3A_32, %dma_start3A_460] : memref<8x512x128xf32, #tpu.memory_space<hbm>> -> memref<1x64x128xf32, #tpu.memory_space<hbm>>
    %dma_start3A_462 = tpu.memref_squeeze %dma_start3A_461 : memref<1x64x128xf32, #tpu.memory_space<hbm>> -> memref<64x128xf32, #tpu.memory_space<hbm>>
    %dma_start3A_463 = arith.constant 0 : i32
    %dma_start3A_464 = tpu.memref_slice %arg10[%select_n3A, %mul3A_32, %dma_start3A_463] : memref<8x512x128xf32, #tpu.memory_space<hbm>> -> memref<1x64x128xf32, #tpu.memory_space<hbm>>
    %dma_start3A_465 = tpu.memref_squeeze %dma_start3A_464 : memref<1x64x128xf32, #tpu.memory_space<hbm>> -> memref<64x128xf32, #tpu.memory_space<hbm>>
    tpu.enqueue_dma source(%arg17 : memref<64x128xf32, #tpu.memory_space<vmem>>) target(%dma_start3A_465 : memref<64x128xf32, #tpu.memory_space<hbm>>) target_semaphore(%arg25 : memref<!tpu.dma_semaphore, #tpu.memory_space<semaphore_mem>>)
    %dma_wait3A_466 = tpu.memref_slice %arg2[%multiple_of3A] : memref<2048xi32, #tpu.memory_space<hbm>> -> memref<160xi32, #tpu.memory_space<hbm>>
    %dma_wait3A_467 = tpu.memref_slice %arg2[%multiple_of3A] : memref<2048xi32, #tpu.memory_space<hbm>> -> memref<160xi32, #tpu.memory_space<hbm>>
    tpu.wait_dma2 semaphore(%arg22 : memref<!tpu.dma_semaphore, #tpu.memory_space<semaphore_mem>>) src(%dma_wait3A_467 : memref<160xi32, #tpu.memory_space<hbm>>) dst(%arg13 : memref<160xi32, #tpu.memory_space<vmem>>)
    %dma_wait3A_468 = tpu.memref_slice %arg3[%multiple_of3A_122] : memref<2048xi32, #tpu.memory_space<hbm>> -> memref<160xi32, #tpu.memory_space<hbm>>
    %dma_wait3A_469 = tpu.memref_slice %arg3[%multiple_of3A_122] : memref<2048xi32, #tpu.memory_space<hbm>> -> memref<160xi32, #tpu.memory_space<hbm>>
    tpu.wait_dma2 semaphore(%arg22 : memref<!tpu.dma_semaphore, #tpu.memory_space<semaphore_mem>>) src(%dma_wait3A_469 : memref<160xi32, #tpu.memory_space<hbm>>) dst(%arg14 : memref<160xi32, #tpu.memory_space<vmem>>)
    %add3A_470 = arith.constant 0 : i32
    %add3A_471 = arith.addi %mul3A_32, %add3A_470 : i32
    %add3A_472 = vector.broadcast %add3A_471 : i32 to vector<16xi32>
    %add3A_473 = arith.addi %add3A_472, %iota3A : vector<16xi32>
    %ge3A_474 = arith.constant 1 : i32
    %ge3A_475 = vector.broadcast %ge3A_474 : i32 to vector<16xi32>
    %ge3A_476 = arith.cmpi sge, %add3A_473, %ge3A_475 : vector<16xi32>
    %le3A_477 = vector.broadcast %reduce_sum3A_82 : i32 to vector<16xi32>
    %le3A_478 = arith.cmpi sle, %add3A_473, %le3A_477 : vector<16xi32>
    %and3A_479 = arith.andi %ge3A_476, %le3A_478 : vector<16xi1>
    %add3A_480 = arith.constant 2 : i32
    %add3A_481 = arith.addi %reduce_sum3A_82, %add3A_480 : i32
    %ge3A_482 = vector.broadcast %add3A_481 : i32 to vector<16xi32>
    %ge3A_483 = arith.cmpi sge, %add3A_473, %ge3A_482 : vector<16xi32>
    %add3A_484 = arith.constant 1 : i32
    %add3A_485 = arith.addi %reduce_sum3A_82, %add3A_484 : i32
    %add3A_486 = arith.addi %add3A_485, %reduce_sum3A_89 : i32
    %le3A_487 = vector.broadcast %add3A_486 : i32 to vector<16xi32>
    %le3A_488 = arith.cmpi sle, %add3A_473, %le3A_487 : vector<16xi32>
    %and3A_489 = arith.andi %ge3A_483, %le3A_488 : vector<16xi1>
    %add3A_490 = arith.constant 1 : i32
    %add3A_491 = arith.addi %reduce_sum3A_82, %add3A_490 : i32
    %eq3A_492 = vector.broadcast %add3A_491 : i32 to vector<16xi32>
    %eq3A_493 = arith.cmpi eq, %add3A_473, %eq3A_492 : vector<16xi32>
    %add3A_494 = arith.addi %reduce_sum3A_82, %reduce_sum3A_89 : i32
    %add3A_495 = arith.constant 2 : i32
    %add3A_496 = arith.addi %add3A_494, %add3A_495 : i32
    %eq3A_497 = vector.broadcast %add3A_496 : i32 to vector<16xi32>
    %eq3A_498 = arith.cmpi eq, %add3A_473, %eq3A_497 : vector<16xi32>
    %or3A = arith.ori %eq3A_493, %eq3A_498 : vector<16xi1>
    %add3A_499 = vector.broadcast %reduce_sum3A_96 : i32 to vector<16xi32>
    %add3A_500 = arith.addi %add3A_499, %add3A_473 : vector<16xi32>
    %sub3A_501 = arith.constant 1 : i32
    %sub3A_502 = vector.broadcast %sub3A_501 : i32 to vector<16xi32>
    %sub3A_503 = arith.subi %add3A_500, %sub3A_502 : vector<16xi32>
    %sub3A_504 = vector.broadcast %multiple_of3A : i32 to vector<16xi32>
    %sub3A_505 = arith.subi %sub3A_503, %sub3A_504 : vector<16xi32>
    %jit3A_506 = arith.constant 0 : i32
    %jit3A_507 = arith.constant 159 : i32
    %max3A_508 = vector.broadcast %jit3A_506 : i32 to vector<16xi32>
    %max3A_509 = arith.maxsi %max3A_508, %sub3A_505 : vector<16xi32>
    %min3A_510 = vector.broadcast %jit3A_507 : i32 to vector<16xi32>
    %min3A_511 = arith.minsi %min3A_510, %max3A_509 : vector<16xi32>
    %add3A_512 = vector.broadcast %reduce_sum3A_103 : i32 to vector<16xi32>
    %add3A_513 = arith.addi %add3A_512, %add3A_473 : vector<16xi32>
    %sub3A_514 = vector.broadcast %reduce_sum3A_82 : i32 to vector<16xi32>
    %sub3A_515 = arith.subi %add3A_513, %sub3A_514 : vector<16xi32>
    %sub3A_516 = arith.constant 2 : i32
    %sub3A_517 = vector.broadcast %sub3A_516 : i32 to vector<16xi32>
    %sub3A_518 = arith.subi %sub3A_515, %sub3A_517 : vector<16xi32>
    %sub3A_519 = vector.broadcast %multiple_of3A_122 : i32 to vector<16xi32>
    %sub3A_520 = arith.subi %sub3A_518, %sub3A_519 : vector<16xi32>
    %jit3A_521 = arith.constant 0 : i32
    %jit3A_522 = arith.constant 159 : i32
    %max3A_523 = vector.broadcast %jit3A_521 : i32 to vector<16xi32>
    %max3A_524 = arith.maxsi %max3A_523, %sub3A_520 : vector<16xi32>
    %min3A_525 = vector.broadcast %jit3A_522 : i32 to vector<16xi32>
    %min3A_526 = arith.minsi %min3A_525, %max3A_524 : vector<16xi32>
    %gather3A_527 = tpu.vector_load_idx %arg13[%min3A_511] : memref<160xi32, #tpu.memory_space<vmem>>[vector<16xi32>], vector<16xi32>,
    %gather3A_528 = tpu.vector_load_idx %arg14[%min3A_526] : memref<160xi32, #tpu.memory_space<vmem>>[vector<16xi32>], vector<16xi32>,
    %eq3A_529 = arith.constant 0 : i32
    %eq3A_530 = vector.broadcast %eq3A_529 : i32 to vector<16xi32>
    %eq3A_531 = arith.cmpi eq, %add3A_473, %eq3A_530 : vector<16xi32>
    %jit3A_532 = arith.constant 0 : i32
    %broadcast_in_dim3A_533 = vector.broadcast %jit3A_532 : i32 to vector<16xi32>
    %select_n3A_534 = arith.select %and3A_489, %gather3A_528, %broadcast_in_dim3A_533 : vector<16xi1>, vector<16xi32>
    %select_n3A_535 = arith.select %and3A_479, %gather3A_527, %select_n3A_534 : vector<16xi1>, vector<16xi32>
    %jit3A_536 = arith.constant 102 : i32
    %broadcast_in_dim3A_537 = vector.broadcast %jit3A_536 : i32 to vector<16xi32>
    %select_n3A_538 = arith.select %or3A, %broadcast_in_dim3A_537, %select_n3A_535 : vector<16xi1>, vector<16xi32>
    %jit3A_539 = arith.constant 101 : i32
    %broadcast_in_dim3A_540 = vector.broadcast %jit3A_539 : i32 to vector<16xi32>
    %select_n3A_541 = arith.select %eq3A_531, %broadcast_in_dim3A_540, %select_n3A_538 : vector<16xi1>, vector<16xi32>
    %swap3A_542 = arith.constant 0 : index
    %swap3A_543 = tpu.vector_load %arg19[%swap3A_542] {strides = array<i32>} : memref<128xi32, #tpu.memory_space<vmem>>, vector<16xi32>,
    tpu.vector_store %arg19[%swap3A_542], %select_n3A_541 {strides = array<i32>} : memref<128xi32, #tpu.memory_space<vmem>>, vector<16xi32>,
    %add3A_544 = arith.addi %reduce_sum3A_82, %reduce_sum3A_89 : i32
    %add3A_545 = arith.constant 3 : i32
    %add3A_546 = arith.addi %add3A_544, %add3A_545 : i32
    %lt3A_547 = vector.broadcast %add3A_546 : i32 to vector<16xi32>
    %lt3A_548 = arith.cmpi slt, %add3A_473, %lt3A_547 : vector<16xi32>
    %convert_element_type3A = arith.extui %lt3A_548 : vector<16xi1> to vector<16xi32>
    %swap3A_549 = arith.constant 0 : index
    %swap3A_550 = tpu.vector_load %arg20[%swap3A_549] {strides = array<i32>} : memref<128xi32, #tpu.memory_space<vmem>>, vector<16xi32>,
    tpu.vector_store %arg20[%swap3A_549], %convert_element_type3A {strides = array<i32>} : memref<128xi32, #tpu.memory_space<vmem>>, vector<16xi32>,
    %add3A_551 = arith.constant 2 : i32
    %add3A_552 = arith.addi %reduce_sum3A_82, %add3A_551 : i32
    %ge3A_553 = vector.broadcast %add3A_552 : i32 to vector<16xi32>
    %ge3A_554 = arith.cmpi sge, %add3A_473, %ge3A_553 : vector<16xi32>
    %add3A_555 = arith.addi %reduce_sum3A_82, %reduce_sum3A_89 : i32
    %add3A_556 = arith.constant 2 : i32
    %add3A_557 = arith.addi %add3A_555, %add3A_556 : i32
    %le3A_558 = vector.broadcast %add3A_557 : i32 to vector<16xi32>
    %le3A_559 = arith.cmpi sle, %add3A_473, %le3A_558 : vector<16xi32>
    %and3A_560 = arith.andi %ge3A_554, %le3A_559 : vector<16xi1>
    %convert_element_type3A_561 = arith.extui %and3A_560 : vector<16xi1> to vector<16xi32>
    %swap3A_562 = arith.constant 0 : index
    %swap3A_563 = tpu.vector_load %arg21[%swap3A_562] {strides = array<i32>} : memref<128xi32, #tpu.memory_space<vmem>>, vector<16xi32>,
    tpu.vector_store %arg21[%swap3A_562], %convert_element_type3A_561 {strides = array<i32>} : memref<128xi32, #tpu.memory_space<vmem>>, vector<16xi32>,
    %add3A_564 = arith.constant 16 : i32
    %add3A_565 = arith.addi %mul3A_32, %add3A_564 : i32
    %add3A_566 = vector.broadcast %add3A_565 : i32 to vector<16xi32>
    %add3A_567 = arith.addi %add3A_566, %iota3A : vector<16xi32>
    %ge3A_568 = arith.constant 1 : i32
    %ge3A_569 = vector.broadcast %ge3A_568 : i32 to vector<16xi32>
    %ge3A_570 = arith.cmpi sge, %add3A_567, %ge3A_569 : vector<16xi32>
    %le3A_571 = vector.broadcast %reduce_sum3A_82 : i32 to vector<16xi32>
    %le3A_572 = arith.cmpi sle, %add3A_567, %le3A_571 : vector<16xi32>
    %and3A_573 = arith.andi %ge3A_570, %le3A_572 : vector<16xi1>
    %add3A_574 = arith.constant 2 : i32
    %add3A_575 = arith.addi %reduce_sum3A_82, %add3A_574 : i32
    %ge3A_576 = vector.broadcast %add3A_575 : i32 to vector<16xi32>
    %ge3A_577 = arith.cmpi sge, %add3A_567, %ge3A_576 : vector<16xi32>
    %add3A_578 = arith.constant 1 : i32
    %add3A_579 = arith.addi %reduce_sum3A_82, %add3A_578 : i32
    %add3A_580 = arith.addi %add3A_579, %reduce_sum3A_89 : i32
    %le3A_581 = vector.broadcast %add3A_580 : i32 to vector<16xi32>
    %le3A_582 = arith.cmpi sle, %add3A_567, %le3A_581 : vector<16xi32>
    %and3A_583 = arith.andi %ge3A_577, %le3A_582 : vector<16xi1>
    %add3A_584 = arith.constant 1 : i32
    %add3A_585 = arith.addi %reduce_sum3A_82, %add3A_584 : i32
    %eq3A_586 = vector.broadcast %add3A_585 : i32 to vector<16xi32>
    %eq3A_587 = arith.cmpi eq, %add3A_567, %eq3A_586 : vector<16xi32>
    %add3A_588 = arith.addi %reduce_sum3A_82, %reduce_sum3A_89 : i32
    %add3A_589 = arith.constant 2 : i32
    %add3A_590 = arith.addi %add3A_588, %add3A_589 : i32
    %eq3A_591 = vector.broadcast %add3A_590 : i32 to vector<16xi32>
    %eq3A_592 = arith.cmpi eq, %add3A_567, %eq3A_591 : vector<16xi32>
    %or3A_593 = arith.ori %eq3A_587, %eq3A_592 : vector<16xi1>
    %add3A_594 = vector.broadcast %reduce_sum3A_96 : i32 to vector<16xi32>
    %add3A_595 = arith.addi %add3A_594, %add3A_567 : vector<16xi32>
    %sub3A_596 = arith.constant 1 : i32
    %sub3A_597 = vector.broadcast %sub3A_596 : i32 to vector<16xi32>
    %sub3A_598 = arith.subi %add3A_595, %sub3A_597 : vector<16xi32>
    %sub3A_599 = vector.broadcast %multiple_of3A : i32 to vector<16xi32>
    %sub3A_600 = arith.subi %sub3A_598, %sub3A_599 : vector<16xi32>
    %jit3A_601 = arith.constant 0 : i32
    %jit3A_602 = arith.constant 159 : i32
    %max3A_603 = vector.broadcast %jit3A_601 : i32 to vector<16xi32>
    %max3A_604 = arith.maxsi %max3A_603, %sub3A_600 : vector<16xi32>
    %min3A_605 = vector.broadcast %jit3A_602 : i32 to vector<16xi32>
    %min3A_606 = arith.minsi %min3A_605, %max3A_604 : vector<16xi32>
    %add3A_607 = vector.broadcast %reduce_sum3A_103 : i32 to vector<16xi32>
    %add3A_608 = arith.addi %add3A_607, %add3A_567 : vector<16xi32>
    %sub3A_609 = vector.broadcast %reduce_sum3A_82 : i32 to vector<16xi32>
    %sub3A_610 = arith.subi %add3A_608, %sub3A_609 : vector<16xi32>
    %sub3A_611 = arith.constant 2 : i32
    %sub3A_612 = vector.broadcast %sub3A_611 : i32 to vector<16xi32>
    %sub3A_613 = arith.subi %sub3A_610, %sub3A_612 : vector<16xi32>
    %sub3A_614 = vector.broadcast %multiple_of3A_122 : i32 to vector<16xi32>
    %sub3A_615 = arith.subi %sub3A_613, %sub3A_614 : vector<16xi32>
    %jit3A_616 = arith.constant 0 : i32
    %jit3A_617 = arith.constant 159 : i32
    %max3A_618 = vector.broadcast %jit3A_616 : i32 to vector<16xi32>
    %max3A_619 = arith.maxsi %max3A_618, %sub3A_615 : vector<16xi32>
    %min3A_620 = vector.broadcast %jit3A_617 : i32 to vector<16xi32>
    %min3A_621 = arith.minsi %min3A_620, %max3A_619 : vector<16xi32>
    %gather3A_622 = tpu.vector_load_idx %arg13[%min3A_606] : memref<160xi32, #tpu.memory_space<vmem>>[vector<16xi32>], vector<16xi32>,
    %gather3A_623 = tpu.vector_load_idx %arg14[%min3A_621] : memref<160xi32, #tpu.memory_space<vmem>>[vector<16xi32>], vector<16xi32>,
    %eq3A_624 = arith.constant 0 : i32
    %eq3A_625 = vector.broadcast %eq3A_624 : i32 to vector<16xi32>
    %eq3A_626 = arith.cmpi eq, %add3A_567, %eq3A_625 : vector<16xi32>
    %jit3A_627 = arith.constant 0 : i32
    %broadcast_in_dim3A_628 = vector.broadcast %jit3A_627 : i32 to vector<16xi32>
    %select_n3A_629 = arith.select %and3A_583, %gather3A_623, %broadcast_in_dim3A_628 : vector<16xi1>, vector<16xi32>
    %select_n3A_630 = arith.select %and3A_573, %gather3A_622, %select_n3A_629 : vector<16xi1>, vector<16xi32>
    %jit3A_631 = arith.constant 102 : i32
    %broadcast_in_dim3A_632 = vector.broadcast %jit3A_631 : i32 to vector<16xi32>
    %select_n3A_633 = arith.select %or3A_593, %broadcast_in_dim3A_632, %select_n3A_630 : vector<16xi1>, vector<16xi32>
    %jit3A_634 = arith.constant 101 : i32
    %broadcast_in_dim3A_635 = vector.broadcast %jit3A_634 : i32 to vector<16xi32>
    %select_n3A_636 = arith.select %eq3A_626, %broadcast_in_dim3A_635, %select_n3A_633 : vector<16xi1>, vector<16xi32>
    %swap3A_637 = arith.constant 16 : index
    %swap3A_638 = tpu.vector_load %arg19[%swap3A_637] {strides = array<i32>} : memref<128xi32, #tpu.memory_space<vmem>>, vector<16xi32>,
    tpu.vector_store %arg19[%swap3A_637], %select_n3A_636 {strides = array<i32>} : memref<128xi32, #tpu.memory_space<vmem>>, vector<16xi32>,
    %add3A_639 = arith.addi %reduce_sum3A_82, %reduce_sum3A_89 : i32
    %add3A_640 = arith.constant 3 : i32
    %add3A_641 = arith.addi %add3A_639, %add3A_640 : i32
    %lt3A_642 = vector.broadcast %add3A_641 : i32 to vector<16xi32>
    %lt3A_643 = arith.cmpi slt, %add3A_567, %lt3A_642 : vector<16xi32>
    %convert_element_type3A_644 = arith.extui %lt3A_643 : vector<16xi1> to vector<16xi32>
    %swap3A_645 = arith.constant 16 : index
    %swap3A_646 = tpu.vector_load %arg20[%swap3A_645] {strides = array<i32>} : memref<128xi32, #tpu.memory_space<vmem>>, vector<16xi32>,
    tpu.vector_store %arg20[%swap3A_645], %convert_element_type3A_644 {strides = array<i32>} : memref<128xi32, #tpu.memory_space<vmem>>, vector<16xi32>,
    %add3A_647 = arith.constant 2 : i32
    %add3A_648 = arith.addi %reduce_sum3A_82, %add3A_647 : i32
    %ge3A_649 = vector.broadcast %add3A_648 : i32 to vector<16xi32>
    %ge3A_650 = arith.cmpi sge, %add3A_567, %ge3A_649 : vector<16xi32>
    %add3A_651 = arith.addi %reduce_sum3A_82, %reduce_sum3A_89 : i32
    %add3A_652 = arith.constant 2 : i32
    %add3A_653 = arith.addi %add3A_651, %add3A_652 : i32
    %le3A_654 = vector.broadcast %add3A_653 : i32 to vector<16xi32>
    %le3A_655 = arith.cmpi sle, %add3A_567, %le3A_654 : vector<16xi32>
    %and3A_656 = arith.andi %ge3A_650, %le3A_655 : vector<16xi1>
    %convert_element_type3A_657 = arith.extui %and3A_656 : vector<16xi1> to vector<16xi32>
    %swap3A_658 = arith.constant 16 : index
    %swap3A_659 = tpu.vector_load %arg21[%swap3A_658] {strides = array<i32>} : memref<128xi32, #tpu.memory_space<vmem>>, vector<16xi32>,
    tpu.vector_store %arg21[%swap3A_658], %convert_element_type3A_657 {strides = array<i32>} : memref<128xi32, #tpu.memory_space<vmem>>, vector<16xi32>,
    %add3A_660 = arith.constant 32 : i32
    %add3A_661 = arith.addi %mul3A_32, %add3A_660 : i32
    %add3A_662 = vector.broadcast %add3A_661 : i32 to vector<16xi32>
    %add3A_663 = arith.addi %add3A_662, %iota3A : vector<16xi32>
    %ge3A_664 = arith.constant 1 : i32
    %ge3A_665 = vector.broadcast %ge3A_664 : i32 to vector<16xi32>
    %ge3A_666 = arith.cmpi sge, %add3A_663, %ge3A_665 : vector<16xi32>
    %le3A_667 = vector.broadcast %reduce_sum3A_82 : i32 to vector<16xi32>
    %le3A_668 = arith.cmpi sle, %add3A_663, %le3A_667 : vector<16xi32>
    %and3A_669 = arith.andi %ge3A_666, %le3A_668 : vector<16xi1>
    %add3A_670 = arith.constant 2 : i32
    %add3A_671 = arith.addi %reduce_sum3A_82, %add3A_670 : i32
    %ge3A_672 = vector.broadcast %add3A_671 : i32 to vector<16xi32>
    %ge3A_673 = arith.cmpi sge, %add3A_663, %ge3A_672 : vector<16xi32>
    %add3A_674 = arith.constant 1 : i32
    %add3A_675 = arith.addi %reduce_sum3A_82, %add3A_674 : i32
    %add3A_676 = arith.addi %add3A_675, %reduce_sum3A_89 : i32
    %le3A_677 = vector.broadcast %add3A_676 : i32 to vector<16xi32>
    %le3A_678 = arith.cmpi sle, %add3A_663, %le3A_677 : vector<16xi32>
    %and3A_679 = arith.andi %ge3A_673, %le3A_678 : vector<16xi1>
    %add3A_680 = arith.constant 1 : i32
    %add3A_681 = arith.addi %reduce_sum3A_82, %add3A_680 : i32
    %eq3A_682 = vector.broadcast %add3A_681 : i32 to vector<16xi32>
    %eq3A_683 = arith.cmpi eq, %add3A_663, %eq3A_682 : vector<16xi32>
    %add3A_684 = arith.addi %reduce_sum3A_82, %reduce_sum3A_89 : i32
    %add3A_685 = arith.constant 2 : i32
    %add3A_686 = arith.addi %add3A_684, %add3A_685 : i32
    %eq3A_687 = vector.broadcast %add3A_686 : i32 to vector<16xi32>
    %eq3A_688 = arith.cmpi eq, %add3A_663, %eq3A_687 : vector<16xi32>
    %or3A_689 = arith.ori %eq3A_683, %eq3A_688 : vector<16xi1>
    %add3A_690 = vector.broadcast %reduce_sum3A_96 : i32 to vector<16xi32>
    %add3A_691 = arith.addi %add3A_690, %add3A_663 : vector<16xi32>
    %sub3A_692 = arith.constant 1 : i32
    %sub3A_693 = vector.broadcast %sub3A_692 : i32 to vector<16xi32>
    %sub3A_694 = arith.subi %add3A_691, %sub3A_693 : vector<16xi32>
    %sub3A_695 = vector.broadcast %multiple_of3A : i32 to vector<16xi32>
    %sub3A_696 = arith.subi %sub3A_694, %sub3A_695 : vector<16xi32>
    %jit3A_697 = arith.constant 0 : i32
    %jit3A_698 = arith.constant 159 : i32
    %max3A_699 = vector.broadcast %jit3A_697 : i32 to vector<16xi32>
    %max3A_700 = arith.maxsi %max3A_699, %sub3A_696 : vector<16xi32>
    %min3A_701 = vector.broadcast %jit3A_698 : i32 to vector<16xi32>
    %min3A_702 = arith.minsi %min3A_701, %max3A_700 : vector<16xi32>
    %add3A_703 = vector.broadcast %reduce_sum3A_103 : i32 to vector<16xi32>
    %add3A_704 = arith.addi %add3A_703, %add3A_663 : vector<16xi32>
    %sub3A_705 = vector.broadcast %reduce_sum3A_82 : i32 to vector<16xi32>
    %sub3A_706 = arith.subi %add3A_704, %sub3A_705 : vector<16xi32>
    %sub3A_707 = arith.constant 2 : i32
    %sub3A_708 = vector.broadcast %sub3A_707 : i32 to vector<16xi32>
    %sub3A_709 = arith.subi %sub3A_706, %sub3A_708 : vector<16xi32>
    %sub3A_710 = vector.broadcast %multiple_of3A_122 : i32 to vector<16xi32>
    %sub3A_711 = arith.subi %sub3A_709, %sub3A_710 : vector<16xi32>
    %jit3A_712 = arith.constant 0 : i32
    %jit3A_713 = arith.constant 159 : i32
    %max3A_714 = vector.broadcast %jit3A_712 : i32 to vector<16xi32>
    %max3A_715 = arith.maxsi %max3A_714, %sub3A_711 : vector<16xi32>
    %min3A_716 = vector.broadcast %jit3A_713 : i32 to vector<16xi32>
    %min3A_717 = arith.minsi %min3A_716, %max3A_715 : vector<16xi32>
    %gather3A_718 = tpu.vector_load_idx %arg13[%min3A_702] : memref<160xi32, #tpu.memory_space<vmem>>[vector<16xi32>], vector<16xi32>,
    %gather3A_719 = tpu.vector_load_idx %arg14[%min3A_717] : memref<160xi32, #tpu.memory_space<vmem>>[vector<16xi32>], vector<16xi32>,
    %eq3A_720 = arith.constant 0 : i32
    %eq3A_721 = vector.broadcast %eq3A_720 : i32 to vector<16xi32>
    %eq3A_722 = arith.cmpi eq, %add3A_663, %eq3A_721 : vector<16xi32>
    %jit3A_723 = arith.constant 0 : i32
    %broadcast_in_dim3A_724 = vector.broadcast %jit3A_723 : i32 to vector<16xi32>
    %select_n3A_725 = arith.select %and3A_679, %gather3A_719, %broadcast_in_dim3A_724 : vector<16xi1>, vector<16xi32>
    %select_n3A_726 = arith.select %and3A_669, %gather3A_718, %select_n3A_725 : vector<16xi1>, vector<16xi32>
    %jit3A_727 = arith.constant 102 : i32
    %broadcast_in_dim3A_728 = vector.broadcast %jit3A_727 : i32 to vector<16xi32>
    %select_n3A_729 = arith.select %or3A_689, %broadcast_in_dim3A_728, %select_n3A_726 : vector<16xi1>, vector<16xi32>
    %jit3A_730 = arith.constant 101 : i32
    %broadcast_in_dim3A_731 = vector.broadcast %jit3A_730 : i32 to vector<16xi32>
    %select_n3A_732 = arith.select %eq3A_722, %broadcast_in_dim3A_731, %select_n3A_729 : vector<16xi1>, vector<16xi32>
    %swap3A_733 = arith.constant 32 : index
    %swap3A_734 = tpu.vector_load %arg19[%swap3A_733] {strides = array<i32>} : memref<128xi32, #tpu.memory_space<vmem>>, vector<16xi32>,
    tpu.vector_store %arg19[%swap3A_733], %select_n3A_732 {strides = array<i32>} : memref<128xi32, #tpu.memory_space<vmem>>, vector<16xi32>,
    %add3A_735 = arith.addi %reduce_sum3A_82, %reduce_sum3A_89 : i32
    %add3A_736 = arith.constant 3 : i32
    %add3A_737 = arith.addi %add3A_735, %add3A_736 : i32
    %lt3A_738 = vector.broadcast %add3A_737 : i32 to vector<16xi32>
    %lt3A_739 = arith.cmpi slt, %add3A_663, %lt3A_738 : vector<16xi32>
    %convert_element_type3A_740 = arith.extui %lt3A_739 : vector<16xi1> to vector<16xi32>
    %swap3A_741 = arith.constant 32 : index
    %swap3A_742 = tpu.vector_load %arg20[%swap3A_741] {strides = array<i32>} : memref<128xi32, #tpu.memory_space<vmem>>, vector<16xi32>,
    tpu.vector_store %arg20[%swap3A_741], %convert_element_type3A_740 {strides = array<i32>} : memref<128xi32, #tpu.memory_space<vmem>>, vector<16xi32>,
    %add3A_743 = arith.constant 2 : i32
    %add3A_744 = arith.addi %reduce_sum3A_82, %add3A_743 : i32
    %ge3A_745 = vector.broadcast %add3A_744 : i32 to vector<16xi32>
    %ge3A_746 = arith.cmpi sge, %add3A_663, %ge3A_745 : vector<16xi32>
    %add3A_747 = arith.addi %reduce_sum3A_82, %reduce_sum3A_89 : i32
    %add3A_748 = arith.constant 2 : i32
    %add3A_749 = arith.addi %add3A_747, %add3A_748 : i32
    %le3A_750 = vector.broadcast %add3A_749 : i32 to vector<16xi32>
    %le3A_751 = arith.cmpi sle, %add3A_663, %le3A_750 : vector<16xi32>
    %and3A_752 = arith.andi %ge3A_746, %le3A_751 : vector<16xi1>
    %convert_element_type3A_753 = arith.extui %and3A_752 : vector<16xi1> to vector<16xi32>
    %swap3A_754 = arith.constant 32 : index
    %swap3A_755 = tpu.vector_load %arg21[%swap3A_754] {strides = array<i32>} : memref<128xi32, #tpu.memory_space<vmem>>, vector<16xi32>,
    tpu.vector_store %arg21[%swap3A_754], %convert_element_type3A_753 {strides = array<i32>} : memref<128xi32, #tpu.memory_space<vmem>>, vector<16xi32>,
    %add3A_756 = arith.constant 48 : i32
    %add3A_757 = arith.addi %mul3A_32, %add3A_756 : i32
    %add3A_758 = vector.broadcast %add3A_757 : i32 to vector<16xi32>
    %add3A_759 = arith.addi %add3A_758, %iota3A : vector<16xi32>
    %ge3A_760 = arith.constant 1 : i32
    %ge3A_761 = vector.broadcast %ge3A_760 : i32 to vector<16xi32>
    %ge3A_762 = arith.cmpi sge, %add3A_759, %ge3A_761 : vector<16xi32>
    %le3A_763 = vector.broadcast %reduce_sum3A_82 : i32 to vector<16xi32>
    %le3A_764 = arith.cmpi sle, %add3A_759, %le3A_763 : vector<16xi32>
    %and3A_765 = arith.andi %ge3A_762, %le3A_764 : vector<16xi1>
    %add3A_766 = arith.constant 2 : i32
    %add3A_767 = arith.addi %reduce_sum3A_82, %add3A_766 : i32
    %ge3A_768 = vector.broadcast %add3A_767 : i32 to vector<16xi32>
    %ge3A_769 = arith.cmpi sge, %add3A_759, %ge3A_768 : vector<16xi32>
    %add3A_770 = arith.constant 1 : i32
    %add3A_771 = arith.addi %reduce_sum3A_82, %add3A_770 : i32
    %add3A_772 = arith.addi %add3A_771, %reduce_sum3A_89 : i32
    %le3A_773 = vector.broadcast %add3A_772 : i32 to vector<16xi32>
    %le3A_774 = arith.cmpi sle, %add3A_759, %le3A_773 : vector<16xi32>
    %and3A_775 = arith.andi %ge3A_769, %le3A_774 : vector<16xi1>
    %add3A_776 = arith.constant 1 : i32
    %add3A_777 = arith.addi %reduce_sum3A_82, %add3A_776 : i32
    %eq3A_778 = vector.broadcast %add3A_777 : i32 to vector<16xi32>
    %eq3A_779 = arith.cmpi eq, %add3A_759, %eq3A_778 : vector<16xi32>
    %add3A_780 = arith.addi %reduce_sum3A_82, %reduce_sum3A_89 : i32
    %add3A_781 = arith.constant 2 : i32
    %add3A_782 = arith.addi %add3A_780, %add3A_781 : i32
    %eq3A_783 = vector.broadcast %add3A_782 : i32 to vector<16xi32>
    %eq3A_784 = arith.cmpi eq, %add3A_759, %eq3A_783 : vector<16xi32>
    %or3A_785 = arith.ori %eq3A_779, %eq3A_784 : vector<16xi1>
    %add3A_786 = vector.broadcast %reduce_sum3A_96 : i32 to vector<16xi32>
    %add3A_787 = arith.addi %add3A_786, %add3A_759 : vector<16xi32>
    %sub3A_788 = arith.constant 1 : i32
    %sub3A_789 = vector.broadcast %sub3A_788 : i32 to vector<16xi32>
    %sub3A_790 = arith.subi %add3A_787, %sub3A_789 : vector<16xi32>
    %sub3A_791 = vector.broadcast %multiple_of3A : i32 to vector<16xi32>
    %sub3A_792 = arith.subi %sub3A_790, %sub3A_791 : vector<16xi32>
    %jit3A_793 = arith.constant 0 : i32
    %jit3A_794 = arith.constant 159 : i32
    %max3A_795 = vector.broadcast %jit3A_793 : i32 to vector<16xi32>
    %max3A_796 = arith.maxsi %max3A_795, %sub3A_792 : vector<16xi32>
    %min3A_797 = vector.broadcast %jit3A_794 : i32 to vector<16xi32>
    %min3A_798 = arith.minsi %min3A_797, %max3A_796 : vector<16xi32>
    %add3A_799 = vector.broadcast %reduce_sum3A_103 : i32 to vector<16xi32>
    %add3A_800 = arith.addi %add3A_799, %add3A_759 : vector<16xi32>
    %sub3A_801 = vector.broadcast %reduce_sum3A_82 : i32 to vector<16xi32>
    %sub3A_802 = arith.subi %add3A_800, %sub3A_801 : vector<16xi32>
    %sub3A_803 = arith.constant 2 : i32
    %sub3A_804 = vector.broadcast %sub3A_803 : i32 to vector<16xi32>
    %sub3A_805 = arith.subi %sub3A_802, %sub3A_804 : vector<16xi32>
    %sub3A_806 = vector.broadcast %multiple_of3A_122 : i32 to vector<16xi32>
    %sub3A_807 = arith.subi %sub3A_805, %sub3A_806 : vector<16xi32>
    %jit3A_808 = arith.constant 0 : i32
    %jit3A_809 = arith.constant 159 : i32
    %max3A_810 = vector.broadcast %jit3A_808 : i32 to vector<16xi32>
    %max3A_811 = arith.maxsi %max3A_810, %sub3A_807 : vector<16xi32>
    %min3A_812 = vector.broadcast %jit3A_809 : i32 to vector<16xi32>
    %min3A_813 = arith.minsi %min3A_812, %max3A_811 : vector<16xi32>
    %gather3A_814 = tpu.vector_load_idx %arg13[%min3A_798] : memref<160xi32, #tpu.memory_space<vmem>>[vector<16xi32>], vector<16xi32>,
    %gather3A_815 = tpu.vector_load_idx %arg14[%min3A_813] : memref<160xi32, #tpu.memory_space<vmem>>[vector<16xi32>], vector<16xi32>,
    %eq3A_816 = arith.constant 0 : i32
    %eq3A_817 = vector.broadcast %eq3A_816 : i32 to vector<16xi32>
    %eq3A_818 = arith.cmpi eq, %add3A_759, %eq3A_817 : vector<16xi32>
    %jit3A_819 = arith.constant 0 : i32
    %broadcast_in_dim3A_820 = vector.broadcast %jit3A_819 : i32 to vector<16xi32>
    %select_n3A_821 = arith.select %and3A_775, %gather3A_815, %broadcast_in_dim3A_820 : vector<16xi1>, vector<16xi32>
    %select_n3A_822 = arith.select %and3A_765, %gather3A_814, %select_n3A_821 : vector<16xi1>, vector<16xi32>
    %jit3A_823 = arith.constant 102 : i32
    %broadcast_in_dim3A_824 = vector.broadcast %jit3A_823 : i32 to vector<16xi32>
    %select_n3A_825 = arith.select %or3A_785, %broadcast_in_dim3A_824, %select_n3A_822 : vector<16xi1>, vector<16xi32>
    %jit3A_826 = arith.constant 101 : i32
    %broadcast_in_dim3A_827 = vector.broadcast %jit3A_826 : i32 to vector<16xi32>
    %select_n3A_828 = arith.select %eq3A_818, %broadcast_in_dim3A_827, %select_n3A_825 : vector<16xi1>, vector<16xi32>
    %swap3A_829 = arith.constant 48 : index
    %swap3A_830 = tpu.vector_load %arg19[%swap3A_829] {strides = array<i32>} : memref<128xi32, #tpu.memory_space<vmem>>, vector<16xi32>,
    tpu.vector_store %arg19[%swap3A_829], %select_n3A_828 {strides = array<i32>} : memref<128xi32, #tpu.memory_space<vmem>>, vector<16xi32>,
    %add3A_831 = arith.addi %reduce_sum3A_82, %reduce_sum3A_89 : i32
    %add3A_832 = arith.constant 3 : i32
    %add3A_833 = arith.addi %add3A_831, %add3A_832 : i32
    %lt3A_834 = vector.broadcast %add3A_833 : i32 to vector<16xi32>
    %lt3A_835 = arith.cmpi slt, %add3A_759, %lt3A_834 : vector<16xi32>
    %convert_element_type3A_836 = arith.extui %lt3A_835 : vector<16xi1> to vector<16xi32>
    %swap3A_837 = arith.constant 48 : index
    %swap3A_838 = tpu.vector_load %arg20[%swap3A_837] {strides = array<i32>} : memref<128xi32, #tpu.memory_space<vmem>>, vector<16xi32>,
    tpu.vector_store %arg20[%swap3A_837], %convert_element_type3A_836 {strides = array<i32>} : memref<128xi32, #tpu.memory_space<vmem>>, vector<16xi32>,
    %add3A_839 = arith.constant 2 : i32
    %add3A_840 = arith.addi %reduce_sum3A_82, %add3A_839 : i32
    %ge3A_841 = vector.broadcast %add3A_840 : i32 to vector<16xi32>
    %ge3A_842 = arith.cmpi sge, %add3A_759, %ge3A_841 : vector<16xi32>
    %add3A_843 = arith.addi %reduce_sum3A_82, %reduce_sum3A_89 : i32
    %add3A_844 = arith.constant 2 : i32
    %add3A_845 = arith.addi %add3A_843, %add3A_844 : i32
    %le3A_846 = vector.broadcast %add3A_845 : i32 to vector<16xi32>
    %le3A_847 = arith.cmpi sle, %add3A_759, %le3A_846 : vector<16xi32>
    %and3A_848 = arith.andi %ge3A_842, %le3A_847 : vector<16xi1>
    %convert_element_type3A_849 = arith.extui %and3A_848 : vector<16xi1> to vector<16xi32>
    %swap3A_850 = arith.constant 48 : index
    %swap3A_851 = tpu.vector_load %arg21[%swap3A_850] {strides = array<i32>} : memref<128xi32, #tpu.memory_space<vmem>>, vector<16xi32>,
    tpu.vector_store %arg21[%swap3A_850], %convert_element_type3A_849 {strides = array<i32>} : memref<128xi32, #tpu.memory_space<vmem>>, vector<16xi32>,
    %add3A_852 = arith.constant 64 : i32
    %add3A_853 = arith.addi %mul3A_32, %add3A_852 : i32
    %add3A_854 = vector.broadcast %add3A_853 : i32 to vector<16xi32>
    %add3A_855 = arith.addi %add3A_854, %iota3A : vector<16xi32>
    %ge3A_856 = arith.constant 1 : i32
    %ge3A_857 = vector.broadcast %ge3A_856 : i32 to vector<16xi32>
    %ge3A_858 = arith.cmpi sge, %add3A_855, %ge3A_857 : vector<16xi32>
    %le3A_859 = vector.broadcast %reduce_sum3A_82 : i32 to vector<16xi32>
    %le3A_860 = arith.cmpi sle, %add3A_855, %le3A_859 : vector<16xi32>
    %and3A_861 = arith.andi %ge3A_858, %le3A_860 : vector<16xi1>
    %add3A_862 = arith.constant 2 : i32
    %add3A_863 = arith.addi %reduce_sum3A_82, %add3A_862 : i32
    %ge3A_864 = vector.broadcast %add3A_863 : i32 to vector<16xi32>
    %ge3A_865 = arith.cmpi sge, %add3A_855, %ge3A_864 : vector<16xi32>
    %add3A_866 = arith.constant 1 : i32
    %add3A_867 = arith.addi %reduce_sum3A_82, %add3A_866 : i32
    %add3A_868 = arith.addi %add3A_867, %reduce_sum3A_89 : i32
    %le3A_869 = vector.broadcast %add3A_868 : i32 to vector<16xi32>
    %le3A_870 = arith.cmpi sle, %add3A_855, %le3A_869 : vector<16xi32>
    %and3A_871 = arith.andi %ge3A_865, %le3A_870 : vector<16xi1>
    %add3A_872 = arith.constant 1 : i32
    %add3A_873 = arith.addi %reduce_sum3A_82, %add3A_872 : i32
    %eq3A_874 = vector.broadcast %add3A_873 : i32 to vector<16xi32>
    %eq3A_875 = arith.cmpi eq, %add3A_855, %eq3A_874 : vector<16xi32>
    %add3A_876 = arith.addi %reduce_sum3A_82, %reduce_sum3A_89 : i32
    %add3A_877 = arith.constant 2 : i32
    %add3A_878 = arith.addi %add3A_876, %add3A_877 : i32
    %eq3A_879 = vector.broadcast %add3A_878 : i32 to vector<16xi32>
    %eq3A_880 = arith.cmpi eq, %add3A_855, %eq3A_879 : vector<16xi32>
    %or3A_881 = arith.ori %eq3A_875, %eq3A_880 : vector<16xi1>
    %add3A_882 = vector.broadcast %reduce_sum3A_96 : i32 to vector<16xi32>
    %add3A_883 = arith.addi %add3A_882, %add3A_855 : vector<16xi32>
    %sub3A_884 = arith.constant 1 : i32
    %sub3A_885 = vector.broadcast %sub3A_884 : i32 to vector<16xi32>
    %sub3A_886 = arith.subi %add3A_883, %sub3A_885 : vector<16xi32>
    %sub3A_887 = vector.broadcast %multiple_of3A : i32 to vector<16xi32>
    %sub3A_888 = arith.subi %sub3A_886, %sub3A_887 : vector<16xi32>
    %jit3A_889 = arith.constant 0 : i32
    %jit3A_890 = arith.constant 159 : i32
    %max3A_891 = vector.broadcast %jit3A_889 : i32 to vector<16xi32>
    %max3A_892 = arith.maxsi %max3A_891, %sub3A_888 : vector<16xi32>
    %min3A_893 = vector.broadcast %jit3A_890 : i32 to vector<16xi32>
    %min3A_894 = arith.minsi %min3A_893, %max3A_892 : vector<16xi32>
    %add3A_895 = vector.broadcast %reduce_sum3A_103 : i32 to vector<16xi32>
    %add3A_896 = arith.addi %add3A_895, %add3A_855 : vector<16xi32>
    %sub3A_897 = vector.broadcast %reduce_sum3A_82 : i32 to vector<16xi32>
    %sub3A_898 = arith.subi %add3A_896, %sub3A_897 : vector<16xi32>
    %sub3A_899 = arith.constant 2 : i32
    %sub3A_900 = vector.broadcast %sub3A_899 : i32 to vector<16xi32>
    %sub3A_901 = arith.subi %sub3A_898, %sub3A_900 : vector<16xi32>
    %sub3A_902 = vector.broadcast %multiple_of3A_122 : i32 to vector<16xi32>
    %sub3A_903 = arith.subi %sub3A_901, %sub3A_902 : vector<16xi32>
    %jit3A_904 = arith.constant 0 : i32
    %jit3A_905 = arith.constant 159 : i32
    %max3A_906 = vector.broadcast %jit3A_904 : i32 to vector<16xi32>
    %max3A_907 = arith.maxsi %max3A_906, %sub3A_903 : vector<16xi32>
    %min3A_908 = vector.broadcast %jit3A_905 : i32 to vector<16xi32>
    %min3A_909 = arith.minsi %min3A_908, %max3A_907 : vector<16xi32>
    %gather3A_910 = tpu.vector_load_idx %arg13[%min3A_894] : memref<160xi32, #tpu.memory_space<vmem>>[vector<16xi32>], vector<16xi32>,
    %gather3A_911 = tpu.vector_load_idx %arg14[%min3A_909] : memref<160xi32, #tpu.memory_space<vmem>>[vector<16xi32>], vector<16xi32>,
    %eq3A_912 = arith.constant 0 : i32
    %eq3A_913 = vector.broadcast %eq3A_912 : i32 to vector<16xi32>
    %eq3A_914 = arith.cmpi eq, %add3A_855, %eq3A_913 : vector<16xi32>
    %jit3A_915 = arith.constant 0 : i32
    %broadcast_in_dim3A_916 = vector.broadcast %jit3A_915 : i32 to vector<16xi32>
    %select_n3A_917 = arith.select %and3A_871, %gather3A_911, %broadcast_in_dim3A_916 : vector<16xi1>, vector<16xi32>
    %select_n3A_918 = arith.select %and3A_861, %gather3A_910, %select_n3A_917 : vector<16xi1>, vector<16xi32>
    %jit3A_919 = arith.constant 102 : i32
    %broadcast_in_dim3A_920 = vector.broadcast %jit3A_919 : i32 to vector<16xi32>
    %select_n3A_921 = arith.select %or3A_881, %broadcast_in_dim3A_920, %select_n3A_918 : vector<16xi1>, vector<16xi32>
    %jit3A_922 = arith.constant 101 : i32
    %broadcast_in_dim3A_923 = vector.broadcast %jit3A_922 : i32 to vector<16xi32>
    %select_n3A_924 = arith.select %eq3A_914, %broadcast_in_dim3A_923, %select_n3A_921 : vector<16xi1>, vector<16xi32>
    %swap3A_925 = arith.constant 64 : index
    %swap3A_926 = tpu.vector_load %arg19[%swap3A_925] {strides = array<i32>} : memref<128xi32, #tpu.memory_space<vmem>>, vector<16xi32>,
    tpu.vector_store %arg19[%swap3A_925], %select_n3A_924 {strides = array<i32>} : memref<128xi32, #tpu.memory_space<vmem>>, vector<16xi32>,
    %add3A_927 = arith.addi %reduce_sum3A_82, %reduce_sum3A_89 : i32
    %add3A_928 = arith.constant 3 : i32
    %add3A_929 = arith.addi %add3A_927, %add3A_928 : i32
    %lt3A_930 = vector.broadcast %add3A_929 : i32 to vector<16xi32>
    %lt3A_931 = arith.cmpi slt, %add3A_855, %lt3A_930 : vector<16xi32>
    %convert_element_type3A_932 = arith.extui %lt3A_931 : vector<16xi1> to vector<16xi32>
    %swap3A_933 = arith.constant 64 : index
    %swap3A_934 = tpu.vector_load %arg20[%swap3A_933] {strides = array<i32>} : memref<128xi32, #tpu.memory_space<vmem>>, vector<16xi32>,
    tpu.vector_store %arg20[%swap3A_933], %convert_element_type3A_932 {strides = array<i32>} : memref<128xi32, #tpu.memory_space<vmem>>, vector<16xi32>,
    %add3A_935 = arith.constant 2 : i32
    %add3A_936 = arith.addi %reduce_sum3A_82, %add3A_935 : i32
    %ge3A_937 = vector.broadcast %add3A_936 : i32 to vector<16xi32>
    %ge3A_938 = arith.cmpi sge, %add3A_855, %ge3A_937 : vector<16xi32>
    %add3A_939 = arith.addi %reduce_sum3A_82, %reduce_sum3A_89 : i32
    %add3A_940 = arith.constant 2 : i32
    %add3A_941 = arith.addi %add3A_939, %add3A_940 : i32
    %le3A_942 = vector.broadcast %add3A_941 : i32 to vector<16xi32>
    %le3A_943 = arith.cmpi sle, %add3A_855, %le3A_942 : vector<16xi32>
    %and3A_944 = arith.andi %ge3A_938, %le3A_943 : vector<16xi1>
    %convert_element_type3A_945 = arith.extui %and3A_944 : vector<16xi1> to vector<16xi32>
    %swap3A_946 = arith.constant 64 : index
    %swap3A_947 = tpu.vector_load %arg21[%swap3A_946] {strides = array<i32>} : memref<128xi32, #tpu.memory_space<vmem>>, vector<16xi32>,
    tpu.vector_store %arg21[%swap3A_946], %convert_element_type3A_945 {strides = array<i32>} : memref<128xi32, #tpu.memory_space<vmem>>, vector<16xi32>,
    %add3A_948 = arith.constant 80 : i32
    %add3A_949 = arith.addi %mul3A_32, %add3A_948 : i32
    %add3A_950 = vector.broadcast %add3A_949 : i32 to vector<16xi32>
    %add3A_951 = arith.addi %add3A_950, %iota3A : vector<16xi32>
    %ge3A_952 = arith.constant 1 : i32
    %ge3A_953 = vector.broadcast %ge3A_952 : i32 to vector<16xi32>
    %ge3A_954 = arith.cmpi sge, %add3A_951, %ge3A_953 : vector<16xi32>
    %le3A_955 = vector.broadcast %reduce_sum3A_82 : i32 to vector<16xi32>
    %le3A_956 = arith.cmpi sle, %add3A_951, %le3A_955 : vector<16xi32>
    %and3A_957 = arith.andi %ge3A_954, %le3A_956 : vector<16xi1>
    %add3A_958 = arith.constant 2 : i32
    %add3A_959 = arith.addi %reduce_sum3A_82, %add3A_958 : i32
    %ge3A_960 = vector.broadcast %add3A_959 : i32 to vector<16xi32>
    %ge3A_961 = arith.cmpi sge, %add3A_951, %ge3A_960 : vector<16xi32>
    %add3A_962 = arith.constant 1 : i32
    %add3A_963 = arith.addi %reduce_sum3A_82, %add3A_962 : i32
    %add3A_964 = arith.addi %add3A_963, %reduce_sum3A_89 : i32
    %le3A_965 = vector.broadcast %add3A_964 : i32 to vector<16xi32>
    %le3A_966 = arith.cmpi sle, %add3A_951, %le3A_965 : vector<16xi32>
    %and3A_967 = arith.andi %ge3A_961, %le3A_966 : vector<16xi1>
    %add3A_968 = arith.constant 1 : i32
    %add3A_969 = arith.addi %reduce_sum3A_82, %add3A_968 : i32
    %eq3A_970 = vector.broadcast %add3A_969 : i32 to vector<16xi32>
    %eq3A_971 = arith.cmpi eq, %add3A_951, %eq3A_970 : vector<16xi32>
    %add3A_972 = arith.addi %reduce_sum3A_82, %reduce_sum3A_89 : i32
    %add3A_973 = arith.constant 2 : i32
    %add3A_974 = arith.addi %add3A_972, %add3A_973 : i32
    %eq3A_975 = vector.broadcast %add3A_974 : i32 to vector<16xi32>
    %eq3A_976 = arith.cmpi eq, %add3A_951, %eq3A_975 : vector<16xi32>
    %or3A_977 = arith.ori %eq3A_971, %eq3A_976 : vector<16xi1>
    %add3A_978 = vector.broadcast %reduce_sum3A_96 : i32 to vector<16xi32>
    %add3A_979 = arith.addi %add3A_978, %add3A_951 : vector<16xi32>
    %sub3A_980 = arith.constant 1 : i32
    %sub3A_981 = vector.broadcast %sub3A_980 : i32 to vector<16xi32>
    %sub3A_982 = arith.subi %add3A_979, %sub3A_981 : vector<16xi32>
    %sub3A_983 = vector.broadcast %multiple_of3A : i32 to vector<16xi32>
    %sub3A_984 = arith.subi %sub3A_982, %sub3A_983 : vector<16xi32>
    %jit3A_985 = arith.constant 0 : i32
    %jit3A_986 = arith.constant 159 : i32
    %max3A_987 = vector.broadcast %jit3A_985 : i32 to vector<16xi32>
    %max3A_988 = arith.maxsi %max3A_987, %sub3A_984 : vector<16xi32>
    %min3A_989 = vector.broadcast %jit3A_986 : i32 to vector<16xi32>
    %min3A_990 = arith.minsi %min3A_989, %max3A_988 : vector<16xi32>
    %add3A_991 = vector.broadcast %reduce_sum3A_103 : i32 to vector<16xi32>
    %add3A_992 = arith.addi %add3A_991, %add3A_951 : vector<16xi32>
    %sub3A_993 = vector.broadcast %reduce_sum3A_82 : i32 to vector<16xi32>
    %sub3A_994 = arith.subi %add3A_992, %sub3A_993 : vector<16xi32>
    %sub3A_995 = arith.constant 2 : i32
    %sub3A_996 = vector.broadcast %sub3A_995 : i32 to vector<16xi32>
    %sub3A_997 = arith.subi %sub3A_994, %sub3A_996 : vector<16xi32>
    %sub3A_998 = vector.broadcast %multiple_of3A_122 : i32 to vector<16xi32>
    %sub3A_999 = arith.subi %sub3A_997, %sub3A_998 : vector<16xi32>
    %jit3A_1000 = arith.constant 0 : i32
    %jit3A_1001 = arith.constant 159 : i32
    %max3A_1002 = vector.broadcast %jit3A_1000 : i32 to vector<16xi32>
    %max3A_1003 = arith.maxsi %max3A_1002, %sub3A_999 : vector<16xi32>
    %min3A_1004 = vector.broadcast %jit3A_1001 : i32 to vector<16xi32>
    %min3A_1005 = arith.minsi %min3A_1004, %max3A_1003 : vector<16xi32>
    %gather3A_1006 = tpu.vector_load_idx %arg13[%min3A_990] : memref<160xi32, #tpu.memory_space<vmem>>[vector<16xi32>], vector<16xi32>,
    %gather3A_1007 = tpu.vector_load_idx %arg14[%min3A_1005] : memref<160xi32, #tpu.memory_space<vmem>>[vector<16xi32>], vector<16xi32>,
    %eq3A_1008 = arith.constant 0 : i32
    %eq3A_1009 = vector.broadcast %eq3A_1008 : i32 to vector<16xi32>
    %eq3A_1010 = arith.cmpi eq, %add3A_951, %eq3A_1009 : vector<16xi32>
    %jit3A_1011 = arith.constant 0 : i32
    %broadcast_in_dim3A_1012 = vector.broadcast %jit3A_1011 : i32 to vector<16xi32>
    %select_n3A_1013 = arith.select %and3A_967, %gather3A_1007, %broadcast_in_dim3A_1012 : vector<16xi1>, vector<16xi32>
    %select_n3A_1014 = arith.select %and3A_957, %gather3A_1006, %select_n3A_1013 : vector<16xi1>, vector<16xi32>
    %jit3A_1015 = arith.constant 102 : i32
    %broadcast_in_dim3A_1016 = vector.broadcast %jit3A_1015 : i32 to vector<16xi32>
    %select_n3A_1017 = arith.select %or3A_977, %broadcast_in_dim3A_1016, %select_n3A_1014 : vector<16xi1>, vector<16xi32>
    %jit3A_1018 = arith.constant 101 : i32
    %broadcast_in_dim3A_1019 = vector.broadcast %jit3A_1018 : i32 to vector<16xi32>
    %select_n3A_1020 = arith.select %eq3A_1010, %broadcast_in_dim3A_1019, %select_n3A_1017 : vector<16xi1>, vector<16xi32>
    %swap3A_1021 = arith.constant 80 : index
    %swap3A_1022 = tpu.vector_load %arg19[%swap3A_1021] {strides = array<i32>} : memref<128xi32, #tpu.memory_space<vmem>>, vector<16xi32>,
    tpu.vector_store %arg19[%swap3A_1021], %select_n3A_1020 {strides = array<i32>} : memref<128xi32, #tpu.memory_space<vmem>>, vector<16xi32>,
    %add3A_1023 = arith.addi %reduce_sum3A_82, %reduce_sum3A_89 : i32
    %add3A_1024 = arith.constant 3 : i32
    %add3A_1025 = arith.addi %add3A_1023, %add3A_1024 : i32
    %lt3A_1026 = vector.broadcast %add3A_1025 : i32 to vector<16xi32>
    %lt3A_1027 = arith.cmpi slt, %add3A_951, %lt3A_1026 : vector<16xi32>
    %convert_element_type3A_1028 = arith.extui %lt3A_1027 : vector<16xi1> to vector<16xi32>
    %swap3A_1029 = arith.constant 80 : index
    %swap3A_1030 = tpu.vector_load %arg20[%swap3A_1029] {strides = array<i32>} : memref<128xi32, #tpu.memory_space<vmem>>, vector<16xi32>,
    tpu.vector_store %arg20[%swap3A_1029], %convert_element_type3A_1028 {strides = array<i32>} : memref<128xi32, #tpu.memory_space<vmem>>, vector<16xi32>,
    %add3A_1031 = arith.constant 2 : i32
    %add3A_1032 = arith.addi %reduce_sum3A_82, %add3A_1031 : i32
    %ge3A_1033 = vector.broadcast %add3A_1032 : i32 to vector<16xi32>
    %ge3A_1034 = arith.cmpi sge, %add3A_951, %ge3A_1033 : vector<16xi32>
    %add3A_1035 = arith.addi %reduce_sum3A_82, %reduce_sum3A_89 : i32
    %add3A_1036 = arith.constant 2 : i32
    %add3A_1037 = arith.addi %add3A_1035, %add3A_1036 : i32
    %le3A_1038 = vector.broadcast %add3A_1037 : i32 to vector<16xi32>
    %le3A_1039 = arith.cmpi sle, %add3A_951, %le3A_1038 : vector<16xi32>
    %and3A_1040 = arith.andi %ge3A_1034, %le3A_1039 : vector<16xi1>
    %convert_element_type3A_1041 = arith.extui %and3A_1040 : vector<16xi1> to vector<16xi32>
    %swap3A_1042 = arith.constant 80 : index
    %swap3A_1043 = tpu.vector_load %arg21[%swap3A_1042] {strides = array<i32>} : memref<128xi32, #tpu.memory_space<vmem>>, vector<16xi32>,
    tpu.vector_store %arg21[%swap3A_1042], %convert_element_type3A_1041 {strides = array<i32>} : memref<128xi32, #tpu.memory_space<vmem>>, vector<16xi32>,
    %add3A_1044 = arith.constant 96 : i32
    %add3A_1045 = arith.addi %mul3A_32, %add3A_1044 : i32
    %add3A_1046 = vector.broadcast %add3A_1045 : i32 to vector<16xi32>
    %add3A_1047 = arith.addi %add3A_1046, %iota3A : vector<16xi32>
    %ge3A_1048 = arith.constant 1 : i32
    %ge3A_1049 = vector.broadcast %ge3A_1048 : i32 to vector<16xi32>
    %ge3A_1050 = arith.cmpi sge, %add3A_1047, %ge3A_1049 : vector<16xi32>
    %le3A_1051 = vector.broadcast %reduce_sum3A_82 : i32 to vector<16xi32>
    %le3A_1052 = arith.cmpi sle, %add3A_1047, %le3A_1051 : vector<16xi32>
    %and3A_1053 = arith.andi %ge3A_1050, %le3A_1052 : vector<16xi1>
    %add3A_1054 = arith.constant 2 : i32
    %add3A_1055 = arith.addi %reduce_sum3A_82, %add3A_1054 : i32
    %ge3A_1056 = vector.broadcast %add3A_1055 : i32 to vector<16xi32>
    %ge3A_1057 = arith.cmpi sge, %add3A_1047, %ge3A_1056 : vector<16xi32>
    %add3A_1058 = arith.constant 1 : i32
    %add3A_1059 = arith.addi %reduce_sum3A_82, %add3A_1058 : i32
    %add3A_1060 = arith.addi %add3A_1059, %reduce_sum3A_89 : i32
    %le3A_1061 = vector.broadcast %add3A_1060 : i32 to vector<16xi32>
    %le3A_1062 = arith.cmpi sle, %add3A_1047, %le3A_1061 : vector<16xi32>
    %and3A_1063 = arith.andi %ge3A_1057, %le3A_1062 : vector<16xi1>
    %add3A_1064 = arith.constant 1 : i32
    %add3A_1065 = arith.addi %reduce_sum3A_82, %add3A_1064 : i32
    %eq3A_1066 = vector.broadcast %add3A_1065 : i32 to vector<16xi32>
    %eq3A_1067 = arith.cmpi eq, %add3A_1047, %eq3A_1066 : vector<16xi32>
    %add3A_1068 = arith.addi %reduce_sum3A_82, %reduce_sum3A_89 : i32
    %add3A_1069 = arith.constant 2 : i32
    %add3A_1070 = arith.addi %add3A_1068, %add3A_1069 : i32
    %eq3A_1071 = vector.broadcast %add3A_1070 : i32 to vector<16xi32>
    %eq3A_1072 = arith.cmpi eq, %add3A_1047, %eq3A_1071 : vector<16xi32>
    %or3A_1073 = arith.ori %eq3A_1067, %eq3A_1072 : vector<16xi1>
    %add3A_1074 = vector.broadcast %reduce_sum3A_96 : i32 to vector<16xi32>
    %add3A_1075 = arith.addi %add3A_1074, %add3A_1047 : vector<16xi32>
    %sub3A_1076 = arith.constant 1 : i32
    %sub3A_1077 = vector.broadcast %sub3A_1076 : i32 to vector<16xi32>
    %sub3A_1078 = arith.subi %add3A_1075, %sub3A_1077 : vector<16xi32>
    %sub3A_1079 = vector.broadcast %multiple_of3A : i32 to vector<16xi32>
    %sub3A_1080 = arith.subi %sub3A_1078, %sub3A_1079 : vector<16xi32>
    %jit3A_1081 = arith.constant 0 : i32
    %jit3A_1082 = arith.constant 159 : i32
    %max3A_1083 = vector.broadcast %jit3A_1081 : i32 to vector<16xi32>
    %max3A_1084 = arith.maxsi %max3A_1083, %sub3A_1080 : vector<16xi32>
    %min3A_1085 = vector.broadcast %jit3A_1082 : i32 to vector<16xi32>
    %min3A_1086 = arith.minsi %min3A_1085, %max3A_1084 : vector<16xi32>
    %add3A_1087 = vector.broadcast %reduce_sum3A_103 : i32 to vector<16xi32>
    %add3A_1088 = arith.addi %add3A_1087, %add3A_1047 : vector<16xi32>
    %sub3A_1089 = vector.broadcast %reduce_sum3A_82 : i32 to vector<16xi32>
    %sub3A_1090 = arith.subi %add3A_1088, %sub3A_1089 : vector<16xi32>
    %sub3A_1091 = arith.constant 2 : i32
    %sub3A_1092 = vector.broadcast %sub3A_1091 : i32 to vector<16xi32>
    %sub3A_1093 = arith.subi %sub3A_1090, %sub3A_1092 : vector<16xi32>
    %sub3A_1094 = vector.broadcast %multiple_of3A_122 : i32 to vector<16xi32>
    %sub3A_1095 = arith.subi %sub3A_1093, %sub3A_1094 : vector<16xi32>
    %jit3A_1096 = arith.constant 0 : i32
    %jit3A_1097 = arith.constant 159 : i32
    %max3A_1098 = vector.broadcast %jit3A_1096 : i32 to vector<16xi32>
    %max3A_1099 = arith.maxsi %max3A_1098, %sub3A_1095 : vector<16xi32>
    %min3A_1100 = vector.broadcast %jit3A_1097 : i32 to vector<16xi32>
    %min3A_1101 = arith.minsi %min3A_1100, %max3A_1099 : vector<16xi32>
    %gather3A_1102 = tpu.vector_load_idx %arg13[%min3A_1086] : memref<160xi32, #tpu.memory_space<vmem>>[vector<16xi32>], vector<16xi32>,
    %gather3A_1103 = tpu.vector_load_idx %arg14[%min3A_1101] : memref<160xi32, #tpu.memory_space<vmem>>[vector<16xi32>], vector<16xi32>,
    %eq3A_1104 = arith.constant 0 : i32
    %eq3A_1105 = vector.broadcast %eq3A_1104 : i32 to vector<16xi32>
    %eq3A_1106 = arith.cmpi eq, %add3A_1047, %eq3A_1105 : vector<16xi32>
    %jit3A_1107 = arith.constant 0 : i32
    %broadcast_in_dim3A_1108 = vector.broadcast %jit3A_1107 : i32 to vector<16xi32>
    %select_n3A_1109 = arith.select %and3A_1063, %gather3A_1103, %broadcast_in_dim3A_1108 : vector<16xi1>, vector<16xi32>
    %select_n3A_1110 = arith.select %and3A_1053, %gather3A_1102, %select_n3A_1109 : vector<16xi1>, vector<16xi32>
    %jit3A_1111 = arith.constant 102 : i32
    %broadcast_in_dim3A_1112 = vector.broadcast %jit3A_1111 : i32 to vector<16xi32>
    %select_n3A_1113 = arith.select %or3A_1073, %broadcast_in_dim3A_1112, %select_n3A_1110 : vector<16xi1>, vector<16xi32>
    %jit3A_1114 = arith.constant 101 : i32
    %broadcast_in_dim3A_1115 = vector.broadcast %jit3A_1114 : i32 to vector<16xi32>
    %select_n3A_1116 = arith.select %eq3A_1106, %broadcast_in_dim3A_1115, %select_n3A_1113 : vector<16xi1>, vector<16xi32>
    %swap3A_1117 = arith.constant 96 : index
    %swap3A_1118 = tpu.vector_load %arg19[%swap3A_1117] {strides = array<i32>} : memref<128xi32, #tpu.memory_space<vmem>>, vector<16xi32>,
    tpu.vector_store %arg19[%swap3A_1117], %select_n3A_1116 {strides = array<i32>} : memref<128xi32, #tpu.memory_space<vmem>>, vector<16xi32>,
    %add3A_1119 = arith.addi %reduce_sum3A_82, %reduce_sum3A_89 : i32
    %add3A_1120 = arith.constant 3 : i32
    %add3A_1121 = arith.addi %add3A_1119, %add3A_1120 : i32
    %lt3A_1122 = vector.broadcast %add3A_1121 : i32 to vector<16xi32>
    %lt3A_1123 = arith.cmpi slt, %add3A_1047, %lt3A_1122 : vector<16xi32>
    %convert_element_type3A_1124 = arith.extui %lt3A_1123 : vector<16xi1> to vector<16xi32>
    %swap3A_1125 = arith.constant 96 : index
    %swap3A_1126 = tpu.vector_load %arg20[%swap3A_1125] {strides = array<i32>} : memref<128xi32, #tpu.memory_space<vmem>>, vector<16xi32>,
    tpu.vector_store %arg20[%swap3A_1125], %convert_element_type3A_1124 {strides = array<i32>} : memref<128xi32, #tpu.memory_space<vmem>>, vector<16xi32>,
    %add3A_1127 = arith.constant 2 : i32
    %add3A_1128 = arith.addi %reduce_sum3A_82, %add3A_1127 : i32
    %ge3A_1129 = vector.broadcast %add3A_1128 : i32 to vector<16xi32>
    %ge3A_1130 = arith.cmpi sge, %add3A_1047, %ge3A_1129 : vector<16xi32>
    %add3A_1131 = arith.addi %reduce_sum3A_82, %reduce_sum3A_89 : i32
    %add3A_1132 = arith.constant 2 : i32
    %add3A_1133 = arith.addi %add3A_1131, %add3A_1132 : i32
    %le3A_1134 = vector.broadcast %add3A_1133 : i32 to vector<16xi32>
    %le3A_1135 = arith.cmpi sle, %add3A_1047, %le3A_1134 : vector<16xi32>
    %and3A_1136 = arith.andi %ge3A_1130, %le3A_1135 : vector<16xi1>
    %convert_element_type3A_1137 = arith.extui %and3A_1136 : vector<16xi1> to vector<16xi32>
    %swap3A_1138 = arith.constant 96 : index
    %swap3A_1139 = tpu.vector_load %arg21[%swap3A_1138] {strides = array<i32>} : memref<128xi32, #tpu.memory_space<vmem>>, vector<16xi32>,
    tpu.vector_store %arg21[%swap3A_1138], %convert_element_type3A_1137 {strides = array<i32>} : memref<128xi32, #tpu.memory_space<vmem>>, vector<16xi32>,
    %add3A_1140 = arith.constant 112 : i32
    %add3A_1141 = arith.addi %mul3A_32, %add3A_1140 : i32
    %add3A_1142 = vector.broadcast %add3A_1141 : i32 to vector<16xi32>
    %add3A_1143 = arith.addi %add3A_1142, %iota3A : vector<16xi32>
    %ge3A_1144 = arith.constant 1 : i32
    %ge3A_1145 = vector.broadcast %ge3A_1144 : i32 to vector<16xi32>
    %ge3A_1146 = arith.cmpi sge, %add3A_1143, %ge3A_1145 : vector<16xi32>
    %le3A_1147 = vector.broadcast %reduce_sum3A_82 : i32 to vector<16xi32>
    %le3A_1148 = arith.cmpi sle, %add3A_1143, %le3A_1147 : vector<16xi32>
    %and3A_1149 = arith.andi %ge3A_1146, %le3A_1148 : vector<16xi1>
    %add3A_1150 = arith.constant 2 : i32
    %add3A_1151 = arith.addi %reduce_sum3A_82, %add3A_1150 : i32
    %ge3A_1152 = vector.broadcast %add3A_1151 : i32 to vector<16xi32>
    %ge3A_1153 = arith.cmpi sge, %add3A_1143, %ge3A_1152 : vector<16xi32>
    %add3A_1154 = arith.constant 1 : i32
    %add3A_1155 = arith.addi %reduce_sum3A_82, %add3A_1154 : i32
    %add3A_1156 = arith.addi %add3A_1155, %reduce_sum3A_89 : i32
    %le3A_1157 = vector.broadcast %add3A_1156 : i32 to vector<16xi32>
    %le3A_1158 = arith.cmpi sle, %add3A_1143, %le3A_1157 : vector<16xi32>
    %and3A_1159 = arith.andi %ge3A_1153, %le3A_1158 : vector<16xi1>
    %add3A_1160 = arith.constant 1 : i32
    %add3A_1161 = arith.addi %reduce_sum3A_82, %add3A_1160 : i32
    %eq3A_1162 = vector.broadcast %add3A_1161 : i32 to vector<16xi32>
    %eq3A_1163 = arith.cmpi eq, %add3A_1143, %eq3A_1162 : vector<16xi32>
    %add3A_1164 = arith.addi %reduce_sum3A_82, %reduce_sum3A_89 : i32
    %add3A_1165 = arith.constant 2 : i32
    %add3A_1166 = arith.addi %add3A_1164, %add3A_1165 : i32
    %eq3A_1167 = vector.broadcast %add3A_1166 : i32 to vector<16xi32>
    %eq3A_1168 = arith.cmpi eq, %add3A_1143, %eq3A_1167 : vector<16xi32>
    %or3A_1169 = arith.ori %eq3A_1163, %eq3A_1168 : vector<16xi1>
    %add3A_1170 = vector.broadcast %reduce_sum3A_96 : i32 to vector<16xi32>
    %add3A_1171 = arith.addi %add3A_1170, %add3A_1143 : vector<16xi32>
    %sub3A_1172 = arith.constant 1 : i32
    %sub3A_1173 = vector.broadcast %sub3A_1172 : i32 to vector<16xi32>
    %sub3A_1174 = arith.subi %add3A_1171, %sub3A_1173 : vector<16xi32>
    %sub3A_1175 = vector.broadcast %multiple_of3A : i32 to vector<16xi32>
    %sub3A_1176 = arith.subi %sub3A_1174, %sub3A_1175 : vector<16xi32>
    %jit3A_1177 = arith.constant 0 : i32
    %jit3A_1178 = arith.constant 159 : i32
    %max3A_1179 = vector.broadcast %jit3A_1177 : i32 to vector<16xi32>
    %max3A_1180 = arith.maxsi %max3A_1179, %sub3A_1176 : vector<16xi32>
    %min3A_1181 = vector.broadcast %jit3A_1178 : i32 to vector<16xi32>
    %min3A_1182 = arith.minsi %min3A_1181, %max3A_1180 : vector<16xi32>
    %add3A_1183 = vector.broadcast %reduce_sum3A_103 : i32 to vector<16xi32>
    %add3A_1184 = arith.addi %add3A_1183, %add3A_1143 : vector<16xi32>
    %sub3A_1185 = vector.broadcast %reduce_sum3A_82 : i32 to vector<16xi32>
    %sub3A_1186 = arith.subi %add3A_1184, %sub3A_1185 : vector<16xi32>
    %sub3A_1187 = arith.constant 2 : i32
    %sub3A_1188 = vector.broadcast %sub3A_1187 : i32 to vector<16xi32>
    %sub3A_1189 = arith.subi %sub3A_1186, %sub3A_1188 : vector<16xi32>
    %sub3A_1190 = vector.broadcast %multiple_of3A_122 : i32 to vector<16xi32>
    %sub3A_1191 = arith.subi %sub3A_1189, %sub3A_1190 : vector<16xi32>
    %jit3A_1192 = arith.constant 0 : i32
    %jit3A_1193 = arith.constant 159 : i32
    %max3A_1194 = vector.broadcast %jit3A_1192 : i32 to vector<16xi32>
    %max3A_1195 = arith.maxsi %max3A_1194, %sub3A_1191 : vector<16xi32>
    %min3A_1196 = vector.broadcast %jit3A_1193 : i32 to vector<16xi32>
    %min3A_1197 = arith.minsi %min3A_1196, %max3A_1195 : vector<16xi32>
    %gather3A_1198 = tpu.vector_load_idx %arg13[%min3A_1182] : memref<160xi32, #tpu.memory_space<vmem>>[vector<16xi32>], vector<16xi32>,
    %gather3A_1199 = tpu.vector_load_idx %arg14[%min3A_1197] : memref<160xi32, #tpu.memory_space<vmem>>[vector<16xi32>], vector<16xi32>,
    %eq3A_1200 = arith.constant 0 : i32
    %eq3A_1201 = vector.broadcast %eq3A_1200 : i32 to vector<16xi32>
    %eq3A_1202 = arith.cmpi eq, %add3A_1143, %eq3A_1201 : vector<16xi32>
    %jit3A_1203 = arith.constant 0 : i32
    %broadcast_in_dim3A_1204 = vector.broadcast %jit3A_1203 : i32 to vector<16xi32>
    %select_n3A_1205 = arith.select %and3A_1159, %gather3A_1199, %broadcast_in_dim3A_1204 : vector<16xi1>, vector<16xi32>
    %select_n3A_1206 = arith.select %and3A_1149, %gather3A_1198, %select_n3A_1205 : vector<16xi1>, vector<16xi32>
    %jit3A_1207 = arith.constant 102 : i32
    %broadcast_in_dim3A_1208 = vector.broadcast %jit3A_1207 : i32 to vector<16xi32>
    %select_n3A_1209 = arith.select %or3A_1169, %broadcast_in_dim3A_1208, %select_n3A_1206 : vector<16xi1>, vector<16xi32>
    %jit3A_1210 = arith.constant 101 : i32
    %broadcast_in_dim3A_1211 = vector.broadcast %jit3A_1210 : i32 to vector<16xi32>
    %select_n3A_1212 = arith.select %eq3A_1202, %broadcast_in_dim3A_1211, %select_n3A_1209 : vector<16xi1>, vector<16xi32>
    %swap3A_1213 = arith.constant 112 : index
    %swap3A_1214 = tpu.vector_load %arg19[%swap3A_1213] {strides = array<i32>} : memref<128xi32, #tpu.memory_space<vmem>>, vector<16xi32>,
    tpu.vector_store %arg19[%swap3A_1213], %select_n3A_1212 {strides = array<i32>} : memref<128xi32, #tpu.memory_space<vmem>>, vector<16xi32>,
    %add3A_1215 = arith.addi %reduce_sum3A_82, %reduce_sum3A_89 : i32
    %add3A_1216 = arith.constant 3 : i32
    %add3A_1217 = arith.addi %add3A_1215, %add3A_1216 : i32
    %lt3A_1218 = vector.broadcast %add3A_1217 : i32 to vector<16xi32>
    %lt3A_1219 = arith.cmpi slt, %add3A_1143, %lt3A_1218 : vector<16xi32>
    %convert_element_type3A_1220 = arith.extui %lt3A_1219 : vector<16xi1> to vector<16xi32>
    %swap3A_1221 = arith.constant 112 : index
    %swap3A_1222 = tpu.vector_load %arg20[%swap3A_1221] {strides = array<i32>} : memref<128xi32, #tpu.memory_space<vmem>>, vector<16xi32>,
    tpu.vector_store %arg20[%swap3A_1221], %convert_element_type3A_1220 {strides = array<i32>} : memref<128xi32, #tpu.memory_space<vmem>>, vector<16xi32>,
    %add3A_1223 = arith.constant 2 : i32
    %add3A_1224 = arith.addi %reduce_sum3A_82, %add3A_1223 : i32
    %ge3A_1225 = vector.broadcast %add3A_1224 : i32 to vector<16xi32>
    %ge3A_1226 = arith.cmpi sge, %add3A_1143, %ge3A_1225 : vector<16xi32>
    %add3A_1227 = arith.addi %reduce_sum3A_82, %reduce_sum3A_89 : i32
    %add3A_1228 = arith.constant 2 : i32
    %add3A_1229 = arith.addi %add3A_1227, %add3A_1228 : i32
    %le3A_1230 = vector.broadcast %add3A_1229 : i32 to vector<16xi32>
    %le3A_1231 = arith.cmpi sle, %add3A_1143, %le3A_1230 : vector<16xi32>
    %and3A_1232 = arith.andi %ge3A_1226, %le3A_1231 : vector<16xi1>
    %convert_element_type3A_1233 = arith.extui %and3A_1232 : vector<16xi1> to vector<16xi32>
    %swap3A_1234 = arith.constant 112 : index
    %swap3A_1235 = tpu.vector_load %arg21[%swap3A_1234] {strides = array<i32>} : memref<128xi32, #tpu.memory_space<vmem>>, vector<16xi32>,
    tpu.vector_store %arg21[%swap3A_1234], %convert_element_type3A_1233 {strides = array<i32>} : memref<128xi32, #tpu.memory_space<vmem>>, vector<16xi32>,
    %dma_wait3A_1236 = arith.constant 0 : i32
    %dma_wait3A_1237 = arith.constant 0 : i32
    %dma_wait3A_1238 = tpu.memref_slice %arg4[%dma_wait3A_1236, %dma_wait3A_1237] : memref<4224x128xf32, #tpu.memory_space<hbm>> -> memref<4224x128xf32, #tpu.memory_space<hbm>>
    tpu.wait_indirect_dma semaphore(%arg24 : memref<!tpu.dma_semaphore, #tpu.memory_space<semaphore_mem>>) src(%dma_wait3A_1238 : memref<4224x128xf32, #tpu.memory_space<hbm>>) dst(%arg18 : memref<64x128xf32, #tpu.memory_space<vmem>>)
    %add3A_1239 = arith.constant 64 : i32
    %add3A_1240 = arith.addi %mul3A_32, %add3A_1239 : i32
    %dma_start3A_1241 = arith.constant 0 : i32
    %dma_start3A_1242 = tpu.memref_slice %arg10[%select_n3A, %add3A_1240, %dma_start3A_1241] : memref<8x512x128xf32, #tpu.memory_space<hbm>> -> memref<1x64x128xf32, #tpu.memory_space<hbm>>
    %dma_start3A_1243 = tpu.memref_squeeze %dma_start3A_1242 : memref<1x64x128xf32, #tpu.memory_space<hbm>> -> memref<64x128xf32, #tpu.memory_space<hbm>>
    %dma_start3A_1244 = arith.constant 0 : i32
    %dma_start3A_1245 = tpu.memref_slice %arg10[%select_n3A, %add3A_1240, %dma_start3A_1244] : memref<8x512x128xf32, #tpu.memory_space<hbm>> -> memref<1x64x128xf32, #tpu.memory_space<hbm>>
    %dma_start3A_1246 = tpu.memref_squeeze %dma_start3A_1245 : memref<1x64x128xf32, #tpu.memory_space<hbm>> -> memref<64x128xf32, #tpu.memory_space<hbm>>
    tpu.enqueue_dma source(%arg18 : memref<64x128xf32, #tpu.memory_space<vmem>>) target(%dma_start3A_1246 : memref<64x128xf32, #tpu.memory_space<hbm>>) target_semaphore(%arg25 : memref<!tpu.dma_semaphore, #tpu.memory_space<semaphore_mem>>)
    %dma_start3A_1247 = tpu.memref_slice %arg7[%select_n3A, %mul3A_32] : memref<8x512xi32, #tpu.memory_space<hbm>> -> memref<1x128xi32, #tpu.memory_space<hbm>>
    %dma_start3A_1248 = tpu.memref_squeeze %dma_start3A_1247 : memref<1x128xi32, #tpu.memory_space<hbm>> -> memref<128xi32, #tpu.memory_space<hbm>>
    %dma_start3A_1249 = tpu.memref_slice %arg7[%select_n3A, %mul3A_32] : memref<8x512xi32, #tpu.memory_space<hbm>> -> memref<1x128xi32, #tpu.memory_space<hbm>>
    %dma_start3A_1250 = tpu.memref_squeeze %dma_start3A_1249 : memref<1x128xi32, #tpu.memory_space<hbm>> -> memref<128xi32, #tpu.memory_space<hbm>>
    tpu.enqueue_dma source(%arg19 : memref<128xi32, #tpu.memory_space<vmem>>) target(%dma_start3A_1250 : memref<128xi32, #tpu.memory_space<hbm>>) target_semaphore(%arg22 : memref<!tpu.dma_semaphore, #tpu.memory_space<semaphore_mem>>)
    %dma_start3A_1251 = tpu.memref_slice %arg8[%select_n3A, %mul3A_32] : memref<8x512xi32, #tpu.memory_space<hbm>> -> memref<1x128xi32, #tpu.memory_space<hbm>>
    %dma_start3A_1252 = tpu.memref_squeeze %dma_start3A_1251 : memref<1x128xi32, #tpu.memory_space<hbm>> -> memref<128xi32, #tpu.memory_space<hbm>>
    %dma_start3A_1253 = tpu.memref_slice %arg8[%select_n3A, %mul3A_32] : memref<8x512xi32, #tpu.memory_space<hbm>> -> memref<1x128xi32, #tpu.memory_space<hbm>>
    %dma_start3A_1254 = tpu.memref_squeeze %dma_start3A_1253 : memref<1x128xi32, #tpu.memory_space<hbm>> -> memref<128xi32, #tpu.memory_space<hbm>>
    tpu.enqueue_dma source(%arg20 : memref<128xi32, #tpu.memory_space<vmem>>) target(%dma_start3A_1254 : memref<128xi32, #tpu.memory_space<hbm>>) target_semaphore(%arg22 : memref<!tpu.dma_semaphore, #tpu.memory_space<semaphore_mem>>)
    %dma_start3A_1255 = tpu.memref_slice %arg9[%select_n3A, %mul3A_32] : memref<8x512xi32, #tpu.memory_space<hbm>> -> memref<1x128xi32, #tpu.memory_space<hbm>>
    %dma_start3A_1256 = tpu.memref_squeeze %dma_start3A_1255 : memref<1x128xi32, #tpu.memory_space<hbm>> -> memref<128xi32, #tpu.memory_space<hbm>>
    %dma_start3A_1257 = tpu.memref_slice %arg9[%select_n3A, %mul3A_32] : memref<8x512xi32, #tpu.memory_space<hbm>> -> memref<1x128xi32, #tpu.memory_space<hbm>>
    %dma_start3A_1258 = tpu.memref_squeeze %dma_start3A_1257 : memref<1x128xi32, #tpu.memory_space<hbm>> -> memref<128xi32, #tpu.memory_space<hbm>>
    tpu.enqueue_dma source(%arg21 : memref<128xi32, #tpu.memory_space<vmem>>) target(%dma_start3A_1258 : memref<128xi32, #tpu.memory_space<hbm>>) target_semaphore(%arg22 : memref<!tpu.dma_semaphore, #tpu.memory_space<semaphore_mem>>)
    %dma_wait3A_1259 = arith.constant 0 : i32
    %dma_wait3A_1260 = tpu.memref_slice %arg10[%select_n3A, %mul3A_32, %dma_wait3A_1259] : memref<8x512x128xf32, #tpu.memory_space<hbm>> -> memref<1x64x128xf32, #tpu.memory_space<hbm>>
    %dma_wait3A_1261 = tpu.memref_squeeze %dma_wait3A_1260 : memref<1x64x128xf32, #tpu.memory_space<hbm>> -> memref<64x128xf32, #tpu.memory_space<hbm>>
    %dma_wait3A_1262 = arith.constant 0 : i32
    %dma_wait3A_1263 = tpu.memref_slice %arg10[%select_n3A, %mul3A_32, %dma_wait3A_1262] : memref<8x512x128xf32, #tpu.memory_space<hbm>> -> memref<1x64x128xf32, #tpu.memory_space<hbm>>
    %dma_wait3A_1264 = tpu.memref_squeeze %dma_wait3A_1263 : memref<1x64x128xf32, #tpu.memory_space<hbm>> -> memref<64x128xf32, #tpu.memory_space<hbm>>
    tpu.wait_dma2 semaphore(%arg25 : memref<!tpu.dma_semaphore, #tpu.memory_space<semaphore_mem>>) src(%arg17 : memref<64x128xf32, #tpu.memory_space<vmem>>) dst(%dma_wait3A_1264 : memref<64x128xf32, #tpu.memory_space<hbm>>)
    %dma_wait3A_1265 = arith.constant 0 : i32
    %dma_wait3A_1266 = tpu.memref_slice %arg10[%select_n3A, %add3A_1240, %dma_wait3A_1265] : memref<8x512x128xf32, #tpu.memory_space<hbm>> -> memref<1x64x128xf32, #tpu.memory_space<hbm>>
    %dma_wait3A_1267 = tpu.memref_squeeze %dma_wait3A_1266 : memref<1x64x128xf32, #tpu.memory_space<hbm>> -> memref<64x128xf32, #tpu.memory_space<hbm>>
    %dma_wait3A_1268 = arith.constant 0 : i32
    %dma_wait3A_1269 = tpu.memref_slice %arg10[%select_n3A, %add3A_1240, %dma_wait3A_1268] : memref<8x512x128xf32, #tpu.memory_space<hbm>> -> memref<1x64x128xf32, #tpu.memory_space<hbm>>
    %dma_wait3A_1270 = tpu.memref_squeeze %dma_wait3A_1269 : memref<1x64x128xf32, #tpu.memory_space<hbm>> -> memref<64x128xf32, #tpu.memory_space<hbm>>
    tpu.wait_dma2 semaphore(%arg25 : memref<!tpu.dma_semaphore, #tpu.memory_space<semaphore_mem>>) src(%arg18 : memref<64x128xf32, #tpu.memory_space<vmem>>) dst(%dma_wait3A_1270 : memref<64x128xf32, #tpu.memory_space<hbm>>)
    %dma_wait3A_1271 = tpu.memref_slice %arg7[%select_n3A, %mul3A_32] : memref<8x512xi32, #tpu.memory_space<hbm>> -> memref<1x128xi32, #tpu.memory_space<hbm>>
    %dma_wait3A_1272 = tpu.memref_squeeze %dma_wait3A_1271 : memref<1x128xi32, #tpu.memory_space<hbm>> -> memref<128xi32, #tpu.memory_space<hbm>>
    %dma_wait3A_1273 = tpu.memref_slice %arg7[%select_n3A, %mul3A_32] : memref<8x512xi32, #tpu.memory_space<hbm>> -> memref<1x128xi32, #tpu.memory_space<hbm>>
    %dma_wait3A_1274 = tpu.memref_squeeze %dma_wait3A_1273 : memref<1x128xi32, #tpu.memory_space<hbm>> -> memref<128xi32, #tpu.memory_space<hbm>>
    tpu.wait_dma2 semaphore(%arg22 : memref<!tpu.dma_semaphore, #tpu.memory_space<semaphore_mem>>) src(%arg19 : memref<128xi32, #tpu.memory_space<vmem>>) dst(%dma_wait3A_1274 : memref<128xi32, #tpu.memory_space<hbm>>)
    %dma_wait3A_1275 = tpu.memref_slice %arg8[%select_n3A, %mul3A_32] : memref<8x512xi32, #tpu.memory_space<hbm>> -> memref<1x128xi32, #tpu.memory_space<hbm>>
    %dma_wait3A_1276 = tpu.memref_squeeze %dma_wait3A_1275 : memref<1x128xi32, #tpu.memory_space<hbm>> -> memref<128xi32, #tpu.memory_space<hbm>>
    %dma_wait3A_1277 = tpu.memref_slice %arg8[%select_n3A, %mul3A_32] : memref<8x512xi32, #tpu.memory_space<hbm>> -> memref<1x128xi32, #tpu.memory_space<hbm>>
    %dma_wait3A_1278 = tpu.memref_squeeze %dma_wait3A_1277 : memref<1x128xi32, #tpu.memory_space<hbm>> -> memref<128xi32, #tpu.memory_space<hbm>>
    tpu.wait_dma2 semaphore(%arg22 : memref<!tpu.dma_semaphore, #tpu.memory_space<semaphore_mem>>) src(%arg20 : memref<128xi32, #tpu.memory_space<vmem>>) dst(%dma_wait3A_1278 : memref<128xi32, #tpu.memory_space<hbm>>)
    %dma_wait3A_1279 = tpu.memref_slice %arg9[%select_n3A, %mul3A_32] : memref<8x512xi32, #tpu.memory_space<hbm>> -> memref<1x128xi32, #tpu.memory_space<hbm>>
    %dma_wait3A_1280 = tpu.memref_squeeze %dma_wait3A_1279 : memref<1x128xi32, #tpu.memory_space<hbm>> -> memref<128xi32, #tpu.memory_space<hbm>>
    %dma_wait3A_1281 = tpu.memref_slice %arg9[%select_n3A, %mul3A_32] : memref<8x512xi32, #tpu.memory_space<hbm>> -> memref<1x128xi32, #tpu.memory_space<hbm>>
    %dma_wait3A_1282 = tpu.memref_squeeze %dma_wait3A_1281 : memref<1x128xi32, #tpu.memory_space<hbm>> -> memref<128xi32, #tpu.memory_space<hbm>>
    tpu.wait_dma2 semaphore(%arg22 : memref<!tpu.dma_semaphore, #tpu.memory_space<semaphore_mem>>) src(%arg21 : memref<128xi32, #tpu.memory_space<vmem>>) dst(%dma_wait3A_1282 : memref<128xi32, #tpu.memory_space<hbm>>)
    return
  }
}

</mosaic_0001>

<sc_bundles>
// kernel: kernel.3.cloned.1.call-start
scs
__scs_entry_jumppad:
0x0: {  	(pc) =	sbr.rel $0x88, $3  }
0x1: {  	(tag) =	ssettag $0x0;
	lr =	simm.s32 $0x1  }
0x2: {  	[smem:$0x3F9B] =	sst lr;
	_ =	strace $0xD0000000  }
0x3: {  	_ = 	snop  }
0x4: {  	_ = 	snop  }
0x5: {  	_ = 	snop  }
0x6: {  	_ = 	snop  }
0x7: {  	_ = 	snop  }
__scs_overlays_trampoline_lowered:
0x8: {  	[smem:$0x3FAA] =	sst s0  }
0x9: {  	[smem:$0x3FAB] =	sst s1  }
0xa: {  	[smem:$0x3FAC] =	sst s2  }
0xb: {  	[smem:$0x3FAD] =	sst s3  }
0xc: {  	[smem:$0x3FAE] =	sst s4  }
0xd: {  	[smem:$0x3FAF] =	sst s5  }
0xe: {  	[smem:$0x3FB0] =	sst s6  }
0xf: {  	[smem:$0x3FB1] =	sst s7  }
0x10: {  	[smem:$0x3FB2] =	sst s8  }
0x11: {  	[smem:$0x3FB3] =	sst s9;
	s0 =	simm.s32 @!p0 $0x0  }
0x12: {  	s1 =	sld [smem:$0x3F99];
	s0 =	simm.s32 @p0 $0x1  }
0x13: {  	[smem:$0x3FB4] =	sst s0;
	s0 =	simm.s32 @!p1 $0x0  }
0x14: {  	s2 =	sld [smem:$0x3F98];
	s0 =	simm.s32 @p1 $0x1  }
0x15: {  	[smem:$0x3FB5] =	sst s0;
	s0 =	simm.s32 @!p2 $0x0  }
0x16: {  	s3 =	sld [smem:$0x3FDB];
	s0 =	simm.s32 @p2 $0x1  }
0x17: {  	s4 =	simm.s32 $0x1BF5;
	[smem:$0x3FB7] =	sst s0  }
0x18: {  	s0 =	sld [smem:$0x3F9A];
	_ =	swait.ge [sflag:s4], $0x0  }
0x19: {  	s7 =	sld [smem:$0x3F9B]  }
0x1a: {  	s8 =	sadd.s32 $0xFFFFE003, lr  }
0x1b: {  	s9 =	sadd.s32 $0xFFFFFEF7, lr;
	s5 =	simm.s32 $0xFFFFFFFF;
	p2 =	slt.u32 s8, $0xFFFFF086  }
0x1c: {  	p1 =	slt.u32 s9, $0xF7A;
	s5 =	simm.s32 @!p2 $0x0  }
0x1d: {  	s5 =	simm.s32 @p1 $0x1;
	p0 =	seq.s32 s7, s2  }
0x1e: {  	s7 =	smul.u32 @!p0 $0xF7A, s2;
	p2 =	seq.s32 @!p0 s5, $0x0  }
0x1f: {  	s9 =	smul.u32 $0xF7A, s1;
	s8 =	simm.s32 @!p0 $0x1BF5;
	p2 =	por !p2, p0  }
0x20: {  	[sflag:s8] =	ssyncset.s32 @!p0 $0xFFFFF086;
	s6 =	sadd.s32 @!p0 s3, s7;
	s7 =	simm.s32 @!p0 $0x108  }
0x21: {  	s3 =	sadd.s32 s3, s9;
	s6 =	sadd.s32 @!p0 $0x88, s6;
	s7 =	simm.s32 @p2 $0x1082  }
0x22: {  	[simem:s7], [sflag:s8] =	dma.local @!p0 [hbm:s6], $0xF7A  }
0x23: {  	s9 =	sor.u32 $0xD0000000, s2;
	s6 =	simm.s32 $0x108;
	_ =	swait.ge @!p0 [sflag:s8], $0x0  }
0x24: {  	s3 =	sadd.s32 $0x88, s3;
	s6 =	simm.s32 @!p1 $0x1082;
	[sflag:s4] =	ssyncset.s32 $0xFFFFF086  }
0x25: {  	[simem:s6], [sflag:s4] =	dma.local [hbm:s3], $0xF7A  }
0x26: {  	[smem:$0x3F9B] =	sst s1;
	(tag) =	ssettag s2;
	_ =	strace s9  }
0x27: {  	s1 =	sld [smem:$0x3FAB]  }
0x28: {  	s2 =	sld [smem:$0x3FAC]  }
0x29: {  	s4 =	sld [smem:$0x3FAE]  }
0x2a: {  	p0 =	seq.s32 s5, $0x0;
	s5 =	sld [smem:$0x3FAF]  }
0x2b: {  	s6 =	sld [smem:$0x3FB0]  }
0x2c: {  	s7 =	sld [smem:$0x3FB1]  }
0x2d: {  	s3 =	simm.s32 $0x108;
	s8 =	sld [smem:$0x3FB2]  }
0x2e: {  	s3 =	simm.s32 @!p0 $0x1082;
	s9 =	sld [smem:$0x3FB3]  }
0x2f: {  	lr =	sadd.s32 s0, s3;
	s0 =	sld [smem:$0x3FAA]  }
0x30: {  	s3 =	sld [smem:$0x3FAD]  }
0x31: {  	[smem:$0x3FB6] =	sst s10  }
0x32: {  	s10 =	sld [smem:$0x3FB4];
	_ =	sdelay $0x3  }
0x33: {  	p0 =	seq.s32 s10, $0x1;
	s10 =	sld [smem:$0x3FB6];
	_ =	sdelay $0x3  }
0x34: {  	[smem:$0x3FB6] =	sst s10  }
0x35: {  	s10 =	sld [smem:$0x3FB5];
	_ =	sdelay $0x3  }
0x36: {  	p1 =	seq.s32 s10, $0x1;
	s10 =	sld [smem:$0x3FB6];
	_ =	sdelay $0x3  }
0x37: {  	[smem:$0x3FB6] =	sst s10  }
0x38: {  	s10 =	sld [smem:$0x3FB7]  }
0x39: {  	_ = 	snop;
	(pc) =	sbr.ind lr, $3  }
0x3a: {  	_ = 	snop  }
0x3b: {  	_ = 	snop  }
0x3c: {  	p2 =	seq.s32 s10, $0x1;
	s10 =	sld [smem:$0x3FB6]  }
0x3d: {  	_ =	shalt  }
0x3e: {  	_ =	shalt  }
0x3f: {  	_ =	shalt  }
0x40: {  	_ =	shalt  }
0x41: {  	_ =	shalt  }
0x42: {  	_ =	shalt  }
0x43: {  	_ =	shalt  }
0x44: {  	_ =	shalt  }
0x45: {  	_ =	shalt  }
0x46: {  	_ =	shalt  }
0x47: {  	_ =	shalt  }
0x48: {  	_ =	shalt  }
0x49: {  	_ =	shalt  }
0x4a: {  	_ =	shalt  }
0x4b: {  	_ =	shalt  }
0x4c: {  	_ =	shalt  }
0x4d: {  	_ =	shalt  }
0x4e: {  	_ =	shalt  }
0x4f: {  	_ =	shalt  }
0x50: {  	_ =	shalt  }
0x51: {  	_ =	shalt  }
0x52: {  	_ =	shalt  }
0x53: {  	_ =	shalt  }
0x54: {  	_ =	shalt  }
0x55: {  	_ =	shalt  }
0x56: {  	_ =	shalt  }
0x57: {  	_ =	shalt  }
0x58: {  	_ =	shalt  }
0x59: {  	_ =	shalt  }
0x5a: {  	_ =	shalt  }
0x5b: {  	_ =	shalt  }
0x5c: {  	_ =	shalt  }
0x5d: {  	_ =	shalt  }
0x5e: {  	_ =	shalt  }
0x5f: {  	_ =	shalt  }
0x60: {  	_ =	shalt  }
0x61: {  	_ =	shalt  }
0x62: {  	_ =	shalt  }
0x63: {  	_ =	shalt  }
0x64: {  	_ =	shalt  }
0x65: {  	_ =	shalt  }
0x66: {  	_ =	shalt  }
0x67: {  	_ =	shalt  }
0x68: {  	_ =	shalt  }
0x69: {  	_ =	shalt  }
0x6a: {  	_ =	shalt  }
0x6b: {  	_ =	shalt  }
0x6c: {  	_ =	shalt  }
0x6d: {  	_ =	shalt  }
0x6e: {  	_ =	shalt  }
0x6f: {  	_ =	shalt  }
0x70: {  	_ =	shalt  }
0x71: {  	_ =	shalt  }
0x72: {  	_ =	shalt  }
0x73: {  	_ =	shalt  }
0x74: {  	_ =	shalt  }
0x75: {  	_ =	shalt  }
0x76: {  	_ =	shalt  }
0x77: {  	_ =	shalt  }
0x78: {  	_ =	shalt  }
0x79: {  	_ =	shalt  }
0x7a: {  	_ =	shalt  }
0x7b: {  	_ =	shalt  }
0x7c: {  	_ =	shalt  }
0x7d: {  	_ =	shalt  }
0x7e: {  	_ =	shalt  }
0x7f: {  	_ =	shalt  }
0x80: {  	_ =	shalt  }
0x81: {  	_ =	shalt  }
0x82: {  	_ =	shalt  }
0x83: {  	_ =	shalt  }
0x84: {  	_ =	shalt  }
0x85: {  	_ =	shalt  }
0x86: {  	_ =	shalt  }
0x87: {  	_ =	shalt  }
.Lfunc_end0:
.L_simem_size_0:
called_computation_lowered:
.L_overlay_start_0:
0x88: {  	s2 =	sld [smem:$0x3FD9]  }
0x89: {  	s3 =	sld [smem:$0x3FFE];
	_ =	sdelay $0x1  }
0x8a: {  	s1 =	srdreg.scid  }
0x8b: {  	s0 =	sand.u32 $0x1, s1  }
0x8c: {  	s14 =	sshll.u32 s0, $0xA;
	s2 =	sadd.s32 s3, s2  }
0x8d: {  	s2 =	sadd.s32 s2, s14  }
0x8e: {  	[smem:$0x3FC2] =	sst s2  }
0x8f: {  	_ = 	snop  }
0x90: {  	s2 =	sld [smem:$0x3FC9]  }
0x91: {  	s15 =	sld [smem:$0x3FD0]  }
0x92: {  	s4 =	sld [smem:$0x3FC8]  }
0x93: {  	s5 =	sld [smem:$0x3FC5]  }
0x94: {  	s7 =	simm.s32 $0xA;
	s8 =	simm.s32 $0x10;
	s6 =	sld [smem:$0x3FC4]  }
0x95: {  	[smem:s8], [sflag:s7] =	dma.local [hbm:s15], $0x1  }
0x96: {  	_ =	swait.eq [sflag:s7], $0x1  }
0x97: {  	[sflag:s7] =	ssyncset.done $0x0  }
0x98: {  	s16 =	sld [smem:$0x12];
	[sflag:s7] =	ssyncadd.s32 $0xFFFFFFFF  }
0x99: {  	s17 =	sld [smem:$0x13];
	(tm) =	ssettm $0x1  }
0x9a: {  	s18 =	sld [smem:$0x3FFB];
	_ =	sdelay $0x3  }
0x9b: {  	_ =	strace s18  }
0x9c: {  	s8 =	sld [smem:$0x3FFC];
	_ =	sdelay $0x3  }
0x9d: {  	_ =	strace s8  }
0x9e: {  	s8 =	sld [smem:$0x3FFD];
	_ =	sdelay $0x3  }
0x9f: {  	_ =	strace s8  }
0xa0: {  	_ =	strace $0x8FFFFFFF  }
0xa1: {  	s19 =	sld [smem:$0x3FDB];
	_ =	sdelay $0x1  }
0xa2: {  	s9 =	simm.s32 $_scs_section_size  }
0xa3: {  	s10 =	simm.s32 $_size__tile_overlayer_lowered;
	s11 =	simm.s32 $_tile_overlayer_lowered  }
0xa4: {  	s22 =	simm.s32 $0x1BFF;
	s21 =	sshll.u32 s11, $0x1;
	s8 =	sadd.s32 s9, s19  }
0xa5: {  	s12 =	simm.s32 $0x0;
	s20 =	sshll.u32 s10, $0x1;
	s10 =	sadd.s32 s21, s8  }
0xa6: {  	[timem:s12], [sflag:s22] =	dma.local [hbm:s10], s20  }
0xa7: {  	_ =	swait.ge [sflag:s22], s20  }
0xa8: {  	s9 =	ssub.s32 $0x0, s20;
	[sflag:s22] =	ssyncset.done $0x0  }
0xa9: {  	[sflag:s22] =	ssyncadd.s32 s9;
	_ =	sdelay $0x1  }
0xaa: {  	s23 =	simm.s32 $0x1B8B  }
0xab: {  	_ =	swait.ge [sflag:s23], $0x1  }
0xac: {  	[sflag:s23] =	ssyncset.done $0x0  }
0xad: {  	s25 =	simm.s32 $0x1B8E;
	s24 =	sld [smem:$0x3FFE];
	[sflag:s23] =	ssyncadd.s32 $0xFFFFFFFF  }
0xae: {  	s26 =	simm.s32 $execute0_lowered;
	[smem:$0x3FD2] =	sst s25  }
0xaf: {  	s10 =	sshll.u32 s26, $0x1;
	_ =	strace $0x80000046;
	[dreg:$0x1] =	wrdreg $0xFFFFFFFF  }
0xb0: {  	s28 =	simm.s32 $_size_execute0_lowered;
	s8 =	sadd.s32 s8, s10;
	[dreg:$0x0] =	wrdreg $0x0  }
0xb1: {  	s10 =	sshll.u32 s28, $0x1;
	[dreg:$0x2] =	wrdreg s8  }
0xb2: {  	[dreg:$0x3] =	wrdreg s10  }
0xb3: {  	[dreg:$0x4] =	wrdreg $0xC0  }
0xb4: {  	_ =	task [dreg:s12], $0x5FFFF  }
0xb5: {  	[dreg:$0x1] =	wrdreg $0xFFFFFFFF  }
0xb6: {  	[dreg:$0x0] =	wrdreg $0x60  }
0xb7: {  	[dreg:$0x2] =	wrdreg s2  }
0xb8: {  	[dreg:$0x3] =	wrdreg s4  }
0xb9: {  	[dreg:$0x4] =	wrdreg s24  }
0xba: {  	[dreg:$0x5] =	wrdreg s5  }
0xbb: {  	[dreg:$0x6] =	wrdreg s6  }
0xbc: {  	[dreg:$0x7] =	wrdreg s16  }
0xbd: {  	[dreg:$0x8] =	wrdreg s17  }
0xbe: {  	[dreg:$0x9] =	wrdreg $0x9  }
0xbf: {  	_ =	task.clear_ibuf [dreg:s12], $0xAFFFF;
	_ =	strace $0x90000046  }
0xc0: {  	s29 =	simm.s32 $0x9;
	_ =	strace $0x80000048  }
0xc1: {  	_ =	swait.ge [sflag:s29], $0x1  }
0xc2: {  	[sflag:s29] =	ssyncadd.s32 $0xFFFFFFFF  }
0xc3: {  	_ =	strace $0x90000048  }
0xc4: {  	_ =	sfence  }
0xc5: {  	s30 =	sld [smem:$0x0];
	_ =	sdelay $0x2  }
0xc6: {  	s31 =	sshll.u32 s1, $0xD;
	s1 =	sshrl.u32 s1, $0x2  }
0xc7: {  	s3 =	sand.u32 $0x4000, s31;
	s1 =	sadd.s32 s1, s30  }
0xc8: {  	s0 =	sor.u32 s3, s0;
	s1 =	sshll.u32 s1, $0x11  }
0xc9: {  	s0 =	sor.u32 s1, s0  }
0xca: {  	s0 =	sadd.s32 $0x8F2B, s0  }
0xcb: {  	[sflag:s0] =	ssyncadd.remote.s32 $0x1  }
0xcc: {  	_ =	sfence.sel $0xFFFF  }
0xcd: {  	[dreg:$0x0] =	wrdreg $0xFFFFFFFF;
	(pc) =	sbr.abs _section_cstart, $3  }
0xce: {  	[dreg:$0x1] =	wrdreg $0xFFFFFFFF  }
0xcf: {  	_ =	task.clear_ibuf [dreg:s12], $0x2FFFF;
	_ =	strace $0x9FFFFFFF  }
0xd0: {  	(tm) =	ssettm $0x7FFFFFFF  }
0xd1: {  	_ =	shalt  }
tec
execute0_lowered:
.L_overlay_start_1:
0x0: {  	(tag) =	ssettag $0x1  }
0x1: {  	s0 =	rddreg [dreg:$0x0]  }
0x2: {  	s13 =	rddreg [dreg:$0x1]  }
0x3: {  	s3 =	rddreg [dreg:$0x2]  }
0x4: {  	s14 =	rddreg [dreg:$0x3]  }
0x5: {  	s15 =	rddreg [dreg:$0x4]  }
0x6: {  	s4 =	rddreg [dreg:$0x5]  }
0x7: {  	s5 =	rddreg [dreg:$0x6]  }
0x8: {  	s1 =	rddreg [dreg:$0x7]  }
0x9: {  	[dreg:$0x8] =	wrdreg s0  }
0xa: {  	s2 =	srdreg.scid;
	[dreg:$0x9] =	wrdreg s13  }
0xb: {  	s26 =	simm.s32 $0x160;
	s28 =	simm.s32 $0x1A0;
	[dreg:$0xa] =	wrdreg s14  }
0xc: {  	[dreg:$0xb] =	wrdreg s15;
	s7 =	sand.u32 $0x1, s2;
	s2 =	simm.s32 $0x0  }
0xd: {  	s29 =	simm.s32 $0x41E0;
	s30 =	simm.s32 $0x4260;
	[smem:$0x7FF] =	sst s2  }
0xe: {  	v33 =	vlaneseq.u32;
	s0 =	stileid.u32;
	_ =	strace $0x80000047;
	[dreg:$0x13] =	wrdreg s26  }
0xf: {  	v19 =	vimm.s32 $0x76543210;
	v20 =	vimm.s32 $0x87654321;
	v28 =	vimm.s32 $0x0;
	s31 =	simm.s32 $0x42E0;
	s6 =	sshll.u32 s0, $0x1;
	[dreg:$0x14] =	wrdreg s28  }
0x10: {  	vm15 =	vcmask $0x1F00;
	v34 =	vimm.s32 $0x0;
	v22 =	vadd.s32 $0xFFFFFFFF, v33;
	s8 =	sshrl.u32 s0, $0x1;
	s6 =	sand.u32 $0x2, s6;
	[dreg:$0x15] =	wrdreg s29  }
0x11: {  	v23 =	vadd.s32 $0xFFFFFFFE, v33;
	v26 =	vunpack.c.l.s4.s8 v19;
	s10 =	sshll.u32 s8, $0x9;
	v24 =	vmov s8;
	s8 =	sshll.u32 s8, $0x10;
	[dreg:$0x16] =	wrdreg s30  }
0x12: {  	v27 =	vunpack.c.l.s4.s8 v20;
	v29 =	vor.u32 $0x1030, v33;
	v30 =	vor.u32 $0x1040, v33;
	[dreg:$0x17] =	wrdreg s31;
	s6 =	sor.u32 s7, s6;
	s7 =	ssub.s32 $0x2, s7  }
0x13: {  	v31 =	vor.u32 $0x1050, v33;
	v32 =	vor.u32 $0x1060, v33;
	v26 =	vunpack.c.0.s8.s32 v26;
	s9 =	sshll.u32 s6, $0x7;
	s6 =	sshll.u32 s6, $0xE;
	s21 =	sshrl.u32 s7, $0x1  }
0x14: {  	v27 =	vunpack.c.0.s8.s32 v27;
	vm1 =	veq.s32 v24, v33;
	v24 =	vimm.s32 $0x0;
	s10 =	sor.u32 s10, s9;
	s11 =	sadd.s32 $0xFFFFFFFF, s9;
	s16 =	sadd.s32 $0xFFFFFFFE, s9  }
0x15: {  	v24 =	vsel vm1, $0xFFFFFFFF, v24;
	v25 =	vmov s9;
	s17 =	sor.u32 $0x10, s9;
	v0 =	vor.u32 s9, v33;
	s13 =	sor.u32 $0x40, s9;
	s18 =	sor.u32 $0x20, s9  }
0x16: {  	v1 =	vadd.s32 s9, v22;
	s6 =	sor.u32 s8, s6;
	v5 =	vadd.s32 s9, v23;
	s19 =	sor.u32 $0x30, s9;
	s20 =	sor.u32 $0x50, s9;
	v2 =	vor.u32 s17, v33  }
0x17: {  	s22 =	sor.u32 $0x60, s9;
	s24 =	sor.u32 $0x70, s9;
	[dreg:$0xc] =	wrdreg s11;
	v3 =	vadd.s32 s17, v22;
	v4 =	vadd.s32 s17, v23;
	v6 =	vor.u32 s18, v33  }
0x18: {  	s9 =	simm.s32 $0xC0;
	s10 =	sshrl.u32 s10, $0x3;
	[dreg:$0xd] =	wrdreg s16;
	v7 =	vadd.s32 s18, v22;
	v8 =	vadd.s32 s18, v23;
	v9 =	vor.u32 s19, v33  }
0x19: {  	s14 =	sshll.u32 s13, $0x7;
	s6 =	sshrl.u32 s6, $0x3;
	v10 =	vadd.s32 s19, v22;
	v11 =	vadd.s32 s19, v23;
	v12 =	vor.u32 s13, v33;
	s11 =	simm.s32 $0x1E0  }
0x1a: {  	v13 =	vadd.s32 s13, v22;
	v14 =	vadd.s32 s13, v23;
	v15 =	vor.u32 s20, v33;
	s13 =	simm.s32 $0x1;
	s12 =	sadd.s32 s10, s3;
	s8 =	sor.u32 s8, s14  }
0x1b: {  	v16 =	vadd.s32 s20, v22;
	v17 =	vadd.s32 s20, v23;
	v18 =	vor.u32 s22, v33;
	s6 =	sadd.s32 s5, s6;
	s4 =	sadd.s32 s4, s10;
	s3 =	sadd.s32 $0x800, s3  }
0x1c: {  	v19 =	vadd.s32 s22, v22;
	v20 =	vadd.s32 s22, v23;
	v21 =	vor.u32 s24, v33;
	s10 =	simm.s32 $0x40;
	s14 =	simm.s32 $0x4;
	[dreg:$0xe] =	wrdreg s6  }
0x1d: {  	vm0 =	veq.s32 v25, v33;
	vm14 =	vne.s32 v25, v33;
	v25 =	vimm.s32 $0x0;
	s8 =	sshrl.u32 s8, $0x3;
	[dreg:$0x10] =	wrdreg s4;
	s23 =	sadd.s32 $0x11000, s12  }
0x1e: {  	[tilespmem:$0x1FFF0] =	vst v24;
	v22 =	vadd.s32 s24, v22;
	v23 =	vadd.s32 s24, v23;
	v25 =	vsel vm14, $0xFFFFFFFF, v25;
	s25 =	sadd.s32 $0x11200, s12;
	s6 =	ssub.s32 s7, s21;
	s7 =	simm.s32 $0x3  }
0x1f: {  	v28 =	vsel vm0, $0xFFFFFFFF, v28;
	[tilespmem:$0x1FFE0] =	vst v25;
	v25 =	vand.u32 $0xF, v26;
	v26 =	vand.u32 $0xF, v27;
	s12 =	simm.s32 $0x21E0;
	s5 =	sadd.s32 s5, s8;
	[dreg:$0x11] =	wrdreg s23  }
0x20: {  	[tilespmem:$0x1FFD0] =	vst v28;
	v27 =	vor.u32 $0x1010, v33;
	v28 =	vor.u32 $0x1020, v33;
	[dreg:$0x12] =	wrdreg s25;
	s4 =	smax.u32 s6, $0x1;
	s6 =	simm.s32 $0x2;
	v24 =	vnsel vm15, $0x8, v25  }
0x21: {  	s8 =	simm.s32 $0x20;
	v25 =	vnsel vm15, $0x8, v26;
	v26 =	vor.u32 $0x1000, v33;
	v33 =	vor.u32 $0x1070, v33;
	[dreg:$0xf] =	wrdreg s5;
	s5 =	simm.s32 $0x10  }
.LBB2_1:
0x22: {  	s15 =	rddreg [dreg:$0xa]  }
0x23: {  	[tilespmem:s2], [sflag:$0x2] =	stream.linear.gather [hbm4b:s15+s2], $0x10, $0x38;
	[tilespmem:$0x4360] =	vst v63  }
0x24: {  	s16 =	rddreg [dreg:$0xb]  }
0x25: {  	[tilespmem:s5], [sflag:$0x3] =	stream.linear.gather [hbm4b:s16+s2], $0x10, $0x38;
	[tilespmem:$0x4360] =	vst v63  }
0x26: {  	_ =	swait.ge [sflag:s6], $0x10  }
0x27: {  	[sflag:s6] =	ssyncset.done $0x0  }
0x28: {  	[sflag:s6] =	ssyncadd.s32 $0xFFFFFFF0  }
0x29: {  	_ =	swait.ge [sflag:s7], $0x10  }
0x2a: {  	[sflag:s7] =	ssyncset.done $0x0  }
0x2b: {  	[sflag:s7] =	ssyncadd.s32 $0xFFFFFFF0  }
0x2c: {  	v35 =	vld.idx.msk [tilespmem:v24+s2+$0x0], $0xffff  }
0x2d: {  	v36 =	vld.idx.msk [tilespmem:v24+s5+$0x0], $0xffff  }
0x2e: {  	v37 =	vld.idx.msk [tilespmem:v25+s2+$0x0], $0xffff  }
0x2f: {  	v38 =	vld.idx.msk [tilespmem:v25+s5+$0x0], $0xffff;
	_ =	sdelay $0x2  }
0x30: {  	v42 =	vld [tilespmem:$0x1FFF0];
	_ =	sdelay $0x1  }
0x31: {  	v37 =	vsub.s32 v37, v35;
	v38 =	vsub.s32 v38, v36  }
0x32: {  	v39 =	vadd.s32 v37, v38;
	vm1 =	vlt.s32 v37, $0xFE  }
0x33: {  	vm2 =	vgt.s32 v38, $0xFE;
	v62 =	vsub.s32 $0x1FD, v38;
	v40 =	vnsel vm1, $0xFE, v37  }
0x34: {  	vm7 =	vnez.u8 v42;
	vm0 =	vgt.s32 v39, $0x1FD;
	v39 =	vsel vm2, v40, v62  }
0x35: {  	vm6 =	vlt.s32 v37, $0xFF;
	v63 =	vsub.s32 $0x1FD, v37;
	v37 =	vsel vm0, v39, v37  }
0x36: {  	v40 =	vnsel vm6, $0xFF, v63;
	vm0 =	vmand vm2, vm0;
	v37 =	vnsel vm7, $0x0, v37  }
0x37: {  	v38 =	vsel vm0, v40, v38;
	(xrf0) =	vadd.scan.msk.s32 $0xffff, v37  }
0x38: {  	v43 =	vnsel vm7, $0x0, v38  }
0x39: {  	(xrf0) =	vadd.scan.msk.s32 $0xffff, v43;
	_ =	sdelay $0x1  }
0x3a: {  	v35 =	vnsel vm7, $0x0, v35  }
0x3b: {  	v44 =	vnsel vm7, $0x0, v36;
	(xrf0) =	vadd.scan.msk.s32 $0xffff, v35  }
0x3c: {  	(xrf0) =	vadd.scan.msk.s32 $0xffff, v44;
	v45, _, _ =	vpop (xrf0)  }
0x3d: {  	(v2sf) =	vpush v45, $0xF  }
0x3e: {  	v46, _, _ =	vpop (xrf0)  }
0x3f: {  	(v2sf) =	vpush v46, $0xF;
	_ =	sdelay $0x1  }
0x40: {  	v47, _, _ =	vpop (xrf0)  }
0x41: {  	(v2sf) =	vpush v47, $0xF;
	v38, _, _ =	vpop (xrf0)  }
0x42: {  	(v2sf) =	vpush v38, $0xF;
	_ =	sdelay $0x3  }
0x43: {  	v49 =	vld [tilespmem:$0x1FFE0];
	_ =	sdelay $0x2  }
0x44: {  	v41 =	vimm.s32 $0x0;
	v39 =	vbroadcast v45, $0xF  }
0x45: {  	v54 =	vimm.s32 $0x0;
	v58 =	vimm.s32 $0x0;
	v35 =	vbroadcast v47, $0xF  }
0x46: {  	vm10 =	vnez.u8 v49;
	vm9 =	vle.s32 v0, v39;
	vm6 =	vgt.s32 v2, v39;
	s15 =	spop (v2sf)  }
0x47: {  	vm3 =	vmand vm10, vm9;
	v43 =	vadd.s32 v7, v35;
	v42 =	vadd.s32 v10, v35;
	s18 =	sadd.s32 $0x2, s15  }
0x48: {  	s17 =	spop (v2sf);
	s25 =	sadd.s32 $0x1, s15;
	vm7 =	vge.s32 v0, s18;
	vm12 =	vge.s32 v2, s18;
	vm14 =	vge.s32 v6, s18  }
0x49: {  	s19 =	sadd.s32 s17, s25;
	vm13 =	vge.s32 v9, s18;
	vm15 =	vge.s32 v12, s18;
	vm0 =	vge.s32 v15, s18  }
0x4a: {  	vm8 =	vle.s32 v0, s19;
	vm11 =	vle.s32 v2, s19;
	vm5 =	vle.s32 v6, s19  }
0x4b: {  	s21 =	spop (v2sf);
	v41 =	vsel vm13, $0xFFFFFFFF, v41;
	vm10 =	vle.s32 v12, s19;
	vm4 =	vmand vm7, vm8  }
0x4c: {  	s23 =	rddreg [dreg:$0xc];
	s22 =	spop (v2sf);
	vm2 =	vmand vm12, vm11;
	vm9 =	vmand vm14, vm5;
	vm5 =	vgt.s32 v6, v39  }
0x4d: {  	s24 =	rddreg [dreg:$0xd];
	s21 =	sadd.s32 s21, s23;
	s20 =	sadd.s32 $0x800, s22;
	[tilespmem:$0x1FF20] =	vst v41;
	vm8 =	vle.s32 v9, s19;
	v41 =	vsel vm15, $0xFFFFFFFF, v54;
	vm10 =	vmand vm15, vm10  }
0x4e: {  	s21 =	sand.u32 $0xFFFFFFF0, s21;
	s22 =	sadd.s32 s22, s24;
	vm15 =	vgt.s32 v12, v39;
	vm11 =	vle.s32 v15, s19;
	v48 =	vadd.s32 s20, v5  }
0x4f: {  	v51 =	vadd.s32 s20, v8;
	p0 =	sgt.s32 s21, $0x0;
	s22 =	ssub.s32 s22, s15;
	v52 =	vadd.s32 s20, v11;
	vm13 =	vmand vm13, vm8  }
0x50: {  	vm8 =	vgt.s32 v9, v39;
	[tilespmem:$0x1FF30] =	vst v41;
	v55 =	vadd.s32 s20, v14;
	v41 =	vadd.s32 v13, v35;
	s21 =	simm.s32 @!p0 $0x0;
	s22 =	sand.u32 $0xFFFFFFF0, s22  }
0x51: {  	v36 =	vsub.s32 v48, v39;
	v40 =	vsub.s32 v51, v39;
	v53 =	vsub.s32 v52, v39;
	s21 =	smin.u32 s21, $0x760;
	p0 =	sgt.s32 s22, $0x0  }
0x52: {  	s26 =	rddreg [dreg:$0x8];
	v56 =	vsub.s32 v55, v39;
	v48 =	vimm.s32 $0x0;
	v40 =	vsel vm9, v40, v28;
	s22 =	simm.s32 @!p0 $0x0;
	s28 =	sshrl.u32 s21, $0x3  }
0x53: {  	v48 =	vsel vm0, $0xFFFFFFFF, v48;
	v46 =	vsel vm5, v40, v43;
	v40 =	vsel vm13, v53, v29;
	s22 =	smin.u32 s22, $0x760;
	s23 =	sadd.s32 s26, s28  }
0x54: {  	vm0 =	vmand vm0, vm11;
	v47 =	vsel vm8, v40, v42;
	v40 =	vsel vm10, v56, v30;
	[tilespmem:s8], [sflag:$0x1] =	stream.linear.gather [hbm4b:s23+s2], $0xA0, $0x38;
	[tilespmem:$0x4360] =	vst v63  }
0x55: {  	s29 =	rddreg [dreg:$0x9];
	v50 =	vadd.s32 s20, v4;
	[tilespmem:$0x1FF60] =	vst v48;
	s30 =	sshrl.u32 s22, $0x3;
	v49 =	vsel vm15, v40, v41;
	v40 =	vsel vm0, $0xFFFFFFFF, v58  }
0x56: {  	v44 =	vadd.s32 v1, v35;
	v37 =	vsub.s32 v50, v39;
	v36 =	vsel vm4, v36, v26;
	s23 =	sadd.s32 s29, s30;
	[tilespmem:$0x1FF40] =	vst v40  }
0x57: {  	v45 =	vadd.s32 v3, v35;
	v37 =	vsel vm2, v37, v27;
	v36 =	vsel vm3, v44, v36;
	[tilespmem:s9], [sflag:$0x1] =	stream.linear.gather [hbm4b:s23+s2], $0xA0, $0x38;
	[tilespmem:$0x4360] =	vst v63  }
0x58: {  	v57 =	vadd.s32 s20, v17;
	v37 =	vsel vm6, v37, v45;
	[tilespmem:$0x160] =	vst v36  }
0x59: {  	v61 =	vimm.s32 $0x0;
	vm1 =	vgt.s32 v15, v39;
	v48 =	vsub.s32 v57, v39;
	[tilespmem:$0x170] =	vst v37  }
0x5a: {  	vm11 =	vge.s32 v18, s18;
	v59 =	vsel vm0, v48, v31;
	vm0 =	vle.s32 v18, s19;
	[tilespmem:$0x180] =	vst v46  }
0x5b: {  	v50 =	vimm.s32 $0x0;
	vm0 =	vmand vm11, vm0;
	v37 =	vsel vm1, $0xFFFFFFFF, v61;
	[tilespmem:$0x190] =	vst v47  }
0x5c: {  	v60 =	vadd.s32 s20, v20;
	v36 =	vsel vm0, $0xFFFFFFFF, v50;
	[tilespmem:$0x1FF50] =	vst v37  }
0x5d: {  	s31 =	rddreg [dreg:$0x13];
	v62 =	vimm.s32 $0x0;
	v51 =	vsub.s32 v60, v39;
	v53 =	vimm.s32 $0x0;
	[tilespmem:$0x1FF70] =	vst v36  }
0x5e: {  	v46 =	vsel vm0, v51, v32;
	vm0 =	vgt.s32 v18, v39;
	v37 =	vsel vm11, $0xFFFFFFFF, v62;
	[tilespmem:s11], [sflag:$0x2] =	stream.indirect.gather [hbm4b:s3+s10], $0x80, s31, s10, $0xb8;
	[tilespmem:$0x4360] =	vst v63  }
0x5f: {  	v54 =	vimm.s32 $0x0;
	v48 =	vsel vm0, $0xFFFFFFFF, v53;
	[tilespmem:$0x1FF90] =	vst v37  }
0x60: {  	v52 =	vadd.s32 s20, v23;
	v55 =	vimm.s32 $0x0;
	v40 =	vadd.s32 v16, v35;
	[tilespmem:$0x1FF80] =	vst v48  }
0x61: {  	v57 =	vimm.s32 $0x0;
	v63 =	vsel vm1, v59, v40;
	vm11 =	vge.s32 v21, s18;
	[tilespmem:$0x1A0] =	vst v49  }
0x62: {  	vm1 =	vle.s32 v21, s19;
	v36 =	vadd.s32 v19, v35;
	v48 =	vsel vm11, $0xFFFFFFFF, v54;
	[tilespmem:$0x1B0] =	vst v63  }
0x63: {  	v47 =	vsub.s32 v52, v39;
	v46 =	vsel vm0, v46, v36;
	vm11 =	vmand vm11, vm1;
	[tilespmem:$0x1FFC0] =	vst v48  }
0x64: {  	v48 =	vsel vm11, $0xFFFFFFFF, v55;
	v56 =	vsel vm11, v47, v33;
	vm11 =	vgt.s32 v21, v39;
	[tilespmem:$0x1C0] =	vst v46  }
0x65: {  	v35 =	vadd.s32 v22, v35;
	[tilespmem:$0x1FFA0] =	vst v48;
	v47 =	vsel vm11, $0xFFFFFFFF, v57  }
0x66: {  	v37 =	vsel vm11, v56, v35;
	[tilespmem:$0x1FFB0] =	vst v47  }
0x67: {  	s20 =	rddreg [dreg:$0x14];
	[tilespmem:$0x1D0] =	vst v37  }
0x68: {  	v37 =	vbroadcast v38, $0xF;
	[tilespmem:s12], [sflag:$0x3] =	stream.indirect.gather [hbm4b:s3+s10], $0x80, s20, s10, $0xb8;
	[tilespmem:$0x4360] =	vst v63  }
0x69: {  	_ =	swait.ge [sflag:s6], $0x2000  }
0x6a: {  	v38 =	vadd.s32 s22, v39;
	v58 =	vadd.s32 v5, v37;
	[sflag:s6] =	ssyncset.done $0x0  }
0x6b: {  	v39 =	vmov s21;
	s23 =	rddreg [dreg:$0xe];
	v46 =	vsub.s32 v58, v38;
	[sflag:s6] =	ssyncadd.s32 $0xFFFFE000  }
0x6c: {  	v44 =	vsub.s32 v44, v39;
	vm11 =	vgt.s32 v46, $0x0;
	[hbm4b:s23+s2] =	stream.linear.scatter [tilespmem:s11], [sflag:$0x4], $0x2000, $0x38;
	[tilespmem:$0x4360] =	vst v63  }
0x6d: {  	v46 =	vnsel vm11, $0x0, v46;
	vm11 =	vgt.s32 v44, $0x0;
	_ =	swait.ge [sflag:s13], $0xA0  }
0x6e: {  	v44 =	vnsel vm11, $0x0, v44;
	v46 =	vmin.u32 v46, $0x9F;
	[sflag:s13] =	ssyncset.done $0x0  }
0x6f: {  	v44 =	vmin.u32 v44, $0x9F;
	[sflag:s13] =	ssyncadd.s32 $0xFFFFFF60  }
0x70: {  	_ =	swait.ge [sflag:s13], $0xA0  }
0x71: {  	[sflag:s13] =	ssyncset.done $0x0  }
0x72: {  	[sflag:s13] =	ssyncadd.s32 $0xFFFFFF60  }
0x73: {  	v46 =	vld.idx.msk [tilespmem:v46+s9+$0x0], $0xffff  }
0x74: {  	s17 =	sadd.s32 s15, s17;
	v44 =	vld.idx.msk [tilespmem:v44+s8+$0x0], $0xffff  }
0x75: {  	s16 =	sadd.s32 $0x2, s17;
	vm0 =	veq.s32 v0, s25;
	v45 =	vsub.s32 v45, v39;
	v61 =	vld [tilespmem:$0x1FFD0]  }
0x76: {  	vm1 =	veq.s32 v0, s16;
	v59 =	vadd.s32 v4, v37;
	vm11 =	vgt.s32 v45, $0x0  }
0x77: {  	s17 =	sadd.s32 $0x3, s17;
	vm0 =	vmor vm0, vm1;
	v47 =	vsub.s32 v59, v38;
	v45 =	vnsel vm11, $0x0, v45  }
0x78: {  	vm11 =	vlt.s32 v0, s17;
	v46 =	vnsel vm4, $0x0, v46;
	vm4 =	vgt.s32 v47, $0x0  }
0x79: {  	v45 =	vmin.u32 v45, $0x9F;
	v44 =	vsel vm3, v44, v46;
	v60 =	vnsel vm4, $0x0, v47  }
0x7a: {  	vm4 =	vnez.u8 v61;
	v44 =	vsel vm0, $0x66, v44;
	v46 =	vmin.u32 v60, $0x9F  }
0x7b: {  	v62 =	vsel vm11, $0x1, v34;
	v44 =	vsel vm4, $0x65, v44;
	vm4 =	vle.s32 v0, s16  }
0x7c: {  	[tilespmem:$0x4260] =	vst v62;
	vm7 =	vmand vm7, vm4  }
0x7d: {  	[tilespmem:$0x41E0] =	vst v44;
	v63 =	vsel vm7, $0x1, v34  }
0x7e: {  	[tilespmem:$0x42E0] =	vst v63  }
0x7f: {  	v44 =	vld.idx.msk [tilespmem:v46+s9+$0x0], $0xffff  }
0x80: {  	v45 =	vld.idx.msk [tilespmem:v45+s8+$0x0], $0xffff  }
0x81: {  	v43 =	vsub.s32 v43, v39;
	v48 =	vadd.s32 v8, v37  }
0x82: {  	vm11 =	veq.s32 v2, s25;
	vm4 =	veq.s32 v2, s16;
	v46 =	vsub.s32 v48, v38  }
0x83: {  	vm0 =	vmor vm11, vm4;
	vm11 =	vgt.s32 v43, $0x0;
	vm7 =	vgt.s32 v46, $0x0  }
0x84: {  	vm4 =	vlt.s32 v2, s17;
	v49 =	vnsel vm7, $0x0, v46;
	v44 =	vnsel vm2, $0x0, v44  }
0x85: {  	v43 =	vnsel vm11, $0x0, v43;
	v44 =	vsel vm6, v44, v45;
	v45 =	vmin.u32 v49, $0x9F  }
0x86: {  	v50 =	vsel vm4, $0x1, v34;
	v43 =	vmin.u32 v43, $0x9F;
	vm6 =	vle.s32 v2, s16  }
0x87: {  	[tilespmem:$0x4270] =	vst v50;
	v44 =	vsel vm0, $0x66, v44;
	vm7 =	vmand vm12, vm6  }
0x88: {  	[tilespmem:$0x41F0] =	vst v44;
	v51 =	vsel vm7, $0x1, v34  }
0x89: {  	[tilespmem:$0x42F0] =	vst v51  }
0x8a: {  	v44 =	vld.idx.msk [tilespmem:v45+s9+$0x0], $0xffff  }
0x8b: {  	v43 =	vld.idx.msk [tilespmem:v43+s8+$0x0], $0xffff;
	_ =	sdelay $0x1  }
0x8c: {  	v42 =	vsub.s32 v42, v39;
	v52 =	vadd.s32 v11, v37  }
0x8d: {  	vm11 =	veq.s32 v6, s25;
	vm12 =	veq.s32 v6, s16;
	v45 =	vsub.s32 v52, v38  }
0x8e: {  	vm6 =	vlt.s32 v6, s17;
	vm4 =	vgt.s32 v45, $0x0;
	v44 =	vnsel vm9, $0x0, v44  }
0x8f: {  	v53 =	vnsel vm4, $0x0, v45;
	v43 =	vsel vm5, v44, v43;
	vm5 =	vgt.s32 v42, $0x0  }
0x90: {  	vm7 =	vle.s32 v6, s16;
	v44 =	vmin.u32 v53, $0x9F;
	v42 =	vnsel vm5, $0x0, v42  }
0x91: {  	v54 =	vsel vm6, $0x1, v34;
	vm9 =	vmand vm14, vm7;
	v42 =	vmin.u32 v42, $0x9F  }
0x92: {  	vm0 =	vmor vm11, vm12;
	[tilespmem:$0x4280] =	vst v54;
	v55 =	vsel vm9, $0x1, v34  }
0x93: {  	v43 =	vsel vm0, $0x66, v43;
	[tilespmem:$0x4300] =	vst v55  }
0x94: {  	[tilespmem:$0x4200] =	vst v43  }
0x95: {  	v43 =	vld.idx.msk [tilespmem:v44+s9+$0x0], $0xffff  }
0x96: {  	v42 =	vld.idx.msk [tilespmem:v42+s8+$0x0], $0xffff  }
0x97: {  	v41 =	vsub.s32 v41, v39;
	v56 =	vadd.s32 v14, v37;
	v59 =	vld [tilespmem:$0x1FF20]  }
0x98: {  	vm11 =	veq.s32 v9, s25;
	vm12 =	veq.s32 v9, s16;
	v44 =	vsub.s32 v56, v38  }
0x99: {  	vm6 =	vle.s32 v9, s16;
	vm4 =	vgt.s32 v41, $0x0;
	vm14 =	vgt.s32 v44, $0x0  }
0x9a: {  	v41 =	vnsel vm4, $0x0, v41;
	v57 =	vnsel vm14, $0x0, v44;
	v43 =	vnsel vm13, $0x0, v43  }
0x9b: {  	vm5 =	vlt.s32 v9, s17;
	v42 =	vsel vm8, v43, v42;
	v43 =	vmin.u32 v57, $0x9F  }
0x9c: {  	vm7 =	vnez.u8 v59;
	vm0 =	vmor vm11, vm12;
	v58 =	vsel vm5, $0x1, v34  }
0x9d: {  	v41 =	vmin.u32 v41, $0x9F;
	[tilespmem:$0x4290] =	vst v58;
	v42 =	vsel vm0, $0x66, v42;
	vm0 =	vmand vm7, vm6  }
0x9e: {  	[tilespmem:$0x4210] =	vst v42;
	v60 =	vsel vm0, $0x1, v34  }
0x9f: {  	[tilespmem:$0x4310] =	vst v60  }
0xa0: {  	v42 =	vld.idx.msk [tilespmem:v43+s9+$0x0], $0xffff;
	_ =	sdelay $0x1  }
0xa1: {  	v41 =	vld.idx.msk [tilespmem:v41+s8+$0x0], $0xffff  }
0xa2: {  	v40 =	vsub.s32 v40, v39;
	v61 =	vadd.s32 v17, v37;
	v45 =	vld [tilespmem:$0x1FF30];
	vm9 =	veq.s32 v12, s16  }
0xa3: {  	vm11 =	vgt.s32 v40, $0x0;
	vm12 =	vlt.s32 v12, s17;
	v43 =	vsub.s32 v61, v38  }
0xa4: {  	v40 =	vnsel vm11, $0x0, v40;
	v42 =	vnsel vm10, $0x0, v42;
	vm10 =	vgt.s32 v43, $0x0  }
0xa5: {  	v63 =	vsel vm12, $0x1, v34;
	v40 =	vmin.u32 v40, $0x9F;
	v62 =	vnsel vm10, $0x0, v43  }
0xa6: {  	vm8 =	veq.s32 v12, s25;
	v41 =	vsel vm15, v42, v41;
	v42 =	vmin.u32 v62, $0x9F  }
0xa7: {  	v48 =	vld [tilespmem:$0x1FF40];
	vm14 =	vnez.u8 v45;
	vm13 =	vle.s32 v12, s16;
	vm0 =	vmor vm8, vm9  }
0xa8: {  	v52 =	vld [tilespmem:$0x1FF60];
	[tilespmem:$0x42A0] =	vst v63;
	v41 =	vsel vm0, $0x66, v41;
	vm0 =	vmand vm14, vm13  }
0xa9: {  	v49 =	vld [tilespmem:$0x1FF50];
	[tilespmem:$0x4220] =	vst v41;
	v46 =	vsel vm0, $0x1, v34  }
0xaa: {  	[tilespmem:$0x4320] =	vst v46  }
0xab: {  	v41 =	vld.idx.msk [tilespmem:v42+s9+$0x0], $0xffff  }
0xac: {  	v36 =	vsub.s32 v36, v39;
	v47 =	vadd.s32 v20, v37;
	v40 =	vld.idx.msk [tilespmem:v40+s8+$0x0], $0xffff  }
0xad: {  	vm4 =	veq.s32 v15, s16;
	vm5 =	vnez.u8 v48;
	vm11 =	vnez.u8 v52  }
0xae: {  	vm7 =	vnez.u8 v49;
	vm8 =	vgt.s32 v36, $0x0;
	v42 =	vsub.s32 v47, v38  }
0xaf: {  	vm9 =	vlt.s32 v15, s17;
	v36 =	vnsel vm8, $0x0, v36;
	vm6 =	vgt.s32 v42, $0x0  }
0xb0: {  	v51 =	vsel vm9, $0x1, v34;
	v50 =	vnsel vm6, $0x0, v42;
	v41 =	vnsel vm5, $0x0, v41  }
0xb1: {  	vm15 =	veq.s32 v15, s25;
	v40 =	vsel vm7, v41, v40;
	v41 =	vmin.u32 v50, $0x9F  }
0xb2: {  	v57 =	vld [tilespmem:$0x1FF90];
	v36 =	vmin.u32 v36, $0x9F;
	vm10 =	vle.s32 v15, s16;
	vm0 =	vmor vm15, vm4  }
0xb3: {  	v54 =	vld [tilespmem:$0x1FF70];
	[tilespmem:$0x42B0] =	vst v51;
	v40 =	vsel vm0, $0x66, v40;
	vm0 =	vmand vm11, vm10  }
0xb4: {  	v55 =	vld [tilespmem:$0x1FF80];
	[tilespmem:$0x4230] =	vst v40;
	v53 =	vsel vm0, $0x1, v34  }
0xb5: {  	[tilespmem:$0x4330] =	vst v53  }
0xb6: {  	v35 =	vsub.s32 v35, v39;
	v37 =	vadd.s32 v23, v37;
	v40 =	vld.idx.msk [tilespmem:v41+s9+$0x0], $0xffff  }
0xb7: {  	v37 =	vsub.s32 v37, v38;
	vm12 =	veq.s32 v18, s25;
	vm8 =	vnez.u8 v57;
	v36 =	vld.idx.msk [tilespmem:v36+s8+$0x0], $0xffff  }
0xb8: {  	vm13 =	veq.s32 v18, s16;
	vm14 =	vnez.u8 v54;
	vm15 =	vgt.s32 v37, $0x0  }
0xb9: {  	vm4 =	vnez.u8 v55;
	v37 =	vnsel vm15, $0x0, v37;
	vm6 =	vlt.s32 v18, s17  }
0xba: {  	v37 =	vmin.u32 v37, $0x9F;
	v56 =	vsel vm6, $0x1, v34;
	vm5 =	vgt.s32 v35, $0x0  }
0xbb: {  	v35 =	vnsel vm5, $0x0, v35;
	vm7 =	vle.s32 v18, s16;
	v38 =	vnsel vm14, $0x0, v40  }
0xbc: {  	v35 =	vmin.u32 v35, $0x9F;
	vm0 =	vmor vm12, vm13;
	v36 =	vsel vm4, v38, v36  }
0xbd: {  	v59 =	vld [tilespmem:$0x1FFA0];
	[tilespmem:$0x42C0] =	vst v56;
	v36 =	vsel vm0, $0x66, v36;
	vm0 =	vmand vm8, vm7  }
0xbe: {  	v62 =	vld [tilespmem:$0x1FFC0];
	[tilespmem:$0x4240] =	vst v36;
	v58 =	vsel vm0, $0x1, v34  }
0xbf: {  	v60 =	vld [tilespmem:$0x1FFB0];
	[tilespmem:$0x4340] =	vst v58  }
0xc0: {  	v36 =	vld.idx.msk [tilespmem:v37+s9+$0x0], $0xffff  }
0xc1: {  	v35 =	vld.idx.msk [tilespmem:v35+s8+$0x0], $0xffff;
	_ =	sdelay $0x1  }
0xc2: {  	vm9 =	veq.s32 v21, s25;
	vm15 =	vnez.u8 v62  }
0xc3: {  	vm10 =	vnez.u8 v59;
	vm11 =	veq.s32 v21, s16;
	vm13 =	vlt.s32 v21, s17  }
0xc4: {  	vm12 =	vnez.u8 v60;
	v61 =	vsel vm13, $0x1, v34;
	v36 =	vnsel vm10, $0x0, v36  }
0xc5: {  	vm14 =	vle.s32 v21, s16;
	vm0 =	vmor vm9, vm11;
	v35 =	vsel vm12, v36, v35  }
0xc6: {  	[tilespmem:$0x42D0] =	vst v61;
	v35 =	vsel vm0, $0x66, v35;
	vm0 =	vmand vm15, vm14  }
0xc7: {  	[tilespmem:$0x4250] =	vst v35;
	v63 =	vsel vm0, $0x1, v34  }
0xc8: {  	[tilespmem:$0x4350] =	vst v63  }
0xc9: {  	_ =	swait.ge [sflag:s7], $0x2000  }
0xca: {  	s24 =	rddreg [dreg:$0xf]  }
0xcb: {  	s25 =	rddreg [dreg:$0x10]  }
0xcc: {  	[sflag:s7] =	ssyncset.done $0x0;
	s26 =	rddreg [dreg:$0x15]  }
0xcd: {  	s28 =	rddreg [dreg:$0x11];
	[sflag:s7] =	ssyncadd.s32 $0xFFFFE000  }
0xce: {  	[hbm4b:s24+s2] =	stream.linear.scatter [tilespmem:s12], [sflag:$0x4], $0x2000, $0x38;
	[tilespmem:$0x4360] =	vst v63  }
0xcf: {  	s29 =	rddreg [dreg:$0x16]  }
0xd0: {  	[hbm4b:s25+s2] =	stream.linear.scatter [tilespmem:s26], [sflag:$0x1], $0x80, $0x38;
	[tilespmem:$0x4360] =	vst v63  }
0xd1: {  	s30 =	rddreg [dreg:$0x12]  }
0xd2: {  	[hbm4b:s28+s2] =	stream.linear.scatter [tilespmem:s29], [sflag:$0x1], $0x80, $0x38;
	[tilespmem:$0x4360] =	vst v63  }
0xd3: {  	s31 =	rddreg [dreg:$0x17]  }
0xd4: {  	[hbm4b:s30+s2] =	stream.linear.scatter [tilespmem:s31], [sflag:$0x1], $0x80, $0x38;
	[tilespmem:$0x4360] =	vst v63  }
0xd5: {  	_ =	swait.ge [sflag:s14], $0x2000  }
0xd6: {  	[sflag:s14] =	ssyncset.done $0x0  }
0xd7: {  	[sflag:s14] =	ssyncadd.s32 $0xFFFFE000  }
0xd8: {  	_ =	swait.ge [sflag:s14], $0x2000  }
0xd9: {  	[sflag:s14] =	ssyncset.done $0x0  }
0xda: {  	[sflag:s14] =	ssyncadd.s32 $0xFFFFE000  }
0xdb: {  	_ =	swait.ge [sflag:s13], $0x80  }
0xdc: {  	[sflag:s13] =	ssyncset.done $0x0  }
0xdd: {  	[sflag:s13] =	ssyncadd.s32 $0xFFFFFF80  }
0xde: {  	p0 =	sne.s32 s4, $0x1;
	_ =	swait.ge [sflag:s13], $0x80  }
.Ltmp0:
0xdf: {  	[sflag:s13] =	ssyncset.done $0x0;
	(pc) =	sbr.rel @p0 .LBB2_1-.Ltmp0, $4  }
0xe0: {  	[sflag:s13] =	ssyncadd.s32 $0xFFFFFF80  }
0xe1: {  	_ =	swait.ge [sflag:s13], $0x80  }
0xe2: {  	[sflag:s13] =	ssyncset.done $0x0  }
0xe3: {  	s4 =	sadd.s32 $0xFFFFFFFF, s4;
	[sflag:s13] =	ssyncadd.s32 $0xFFFFFF80  }
0xe4: {  	_ =	sfence.sel $0x180000  }
0xe5: {  	[bflag:$0x0] =	sbarrier.arrive $0xFFFF  }
0xe6: {  	p0 =	sne.s32 s0, $0x0;
	_ =	strace $0x90000047  }
0xe7: {  	s0 =	sadd.s32 @!p0 $0x100000, s1;
	[bflag:$0x2] =	sbarrier.arrive $0xFFFF  }
0xe8: {  	[sflag:s0] =	ssyncadd.tile.s32 @!p0 $0x1;
	_ =	shalt  }
.Lfunc_end2:
_tile_overlayer_lowered:
.L_overlay_start_2:
0xe9: {  	(tag) =	ssettag $0x2  }
0xea: {  	s0 =	rddreg [dreg:$0x0];
	s2 =	stileid.u32  }
0xeb: {  	s1 =	rddreg [dreg:$0x1];
	p0 =	sne.s32 s2, $0x0  }
0xec: {  	s3 =	rddreg [dreg:$0x2];
	[bflag:$0x3] =	sbarrier.arrive $0xFFFF;
	s2 =	simm.s32 @!p0 $0x1C05  }
0xed: {  	[timem:s3], [sflag:s2] =	dma.local @!p0 [hbm:s0], s1  }
0xee: {  	s0 =	simm.s32 @!p0 $0x5  }
0xef: {  	_ =	swait.ge @!p0 [sflag:s0], s1  }
0xf0: {  	s1 =	ssub.s32 @!p0 $0x0, s1;
	[sflag:s0] =	ssyncset.done @!p0 $0x0  }
0xf1: {  	[sflag:s0] =	ssyncadd.s32 @!p0 s1  }
0xf2: {  	[bflag:$0x3] =	sbarrier.arrive $0xFFFF  }
0xf3: {  	_ =	shalt  }

</sc_bundles>
